<compile_context>
chip_gen: v7x
topology: tpu7x:2x2x1
jax: 0.10.2.dev20260603
libtpu: 0.0.44.dev20260713+nightly
codegen_flags: <defaults>
</compile_context>

<pallas_src>
import functools

import jax
import jax.numpy as jnp
from jax import lax
from jax.experimental import pallas as pl
from jax.experimental.pallas import tpu as pltpu
from jax.experimental.pallas import tpu_sc as plsc

_MAX_ID = 100000
_ROWS = _MAX_ID + 1
_LANE_BLK = 8192
_V_PAD = 13 * _LANE_BLK


def _mlp_body(tT_ref, w1_ref, b1_ref, w2_ref, b2_ref, out_ref):
    h = lax.dot_general(w1_ref[...], tT_ref[...], (((1,), (0,)), ((), ())),
                        preferred_element_type=jnp.float32)
    h = jnp.maximum(h + b1_ref[...][:, 0:1], 0.0)
    z = lax.dot_general(w2_ref[...], h, (((1,), (0,)), ((), ())),
                        preferred_element_type=jnp.float32)
    out_ref[...] = jax.nn.sigmoid(z + b2_ref[...][:, 0:1])[0]


def _row_vals(table, W1, b1, W2, b2):
    out = pl.pallas_call(
        _mlp_body,
        grid=(_V_PAD // _LANE_BLK,),
        in_specs=[
            pl.BlockSpec((16, _LANE_BLK), lambda i: (0, i)),
            pl.BlockSpec((8, 16), lambda i: (0, 0)),
            pl.BlockSpec((8, 128), lambda i: (0, 0)),
            pl.BlockSpec((1, 8), lambda i: (0, 0)),
            pl.BlockSpec((1, 128), lambda i: (0, 0)),
        ],
        out_specs=pl.BlockSpec((_LANE_BLK,), lambda i: (i,)),
        out_shape=jax.ShapeDtypeStruct((_V_PAD,), jnp.float32),
    )(table.T, W1, jnp.broadcast_to(b1[:, None], (8, 128)),
      W2, jnp.broadcast_to(b2[:, None], (1, 128)))
    return out


@functools.lru_cache(maxsize=None)
def _gather_kernel(nrows, ncols):
    info = plsc.get_sparse_core_info()
    nc, ns = info.num_cores, info.num_subcores
    nw = nc * ns
    rows_per_tile = nrows // nw
    rc = 16
    n_pairs = rows_per_tile // (2 * rc)
    starts = list(range(0, ncols - 15, 16))
    if starts[-1] + 16 < ncols:
        starts.append(ncols - 16)
    mesh = plsc.VectorSubcoreMesh(core_axis_name="c", subcore_axis_name="s")

    @functools.partial(
        pl.kernel, mesh=mesh,
        out_type=jax.ShapeDtypeStruct((nrows, ncols), jnp.float32),
        compiler_params=pltpu.CompilerParams(needs_layout_passes=False),
        scratch_types=[
            pltpu.VMEM((_V_PAD,), jnp.float32),
            pltpu.VMEM((rc, ncols), jnp.int32),
            pltpu.VMEM((rc, ncols), jnp.int32),
            pltpu.VMEM((rc, ncols), jnp.float32),
            pltpu.VMEM((rc, ncols), jnp.float32),
            pltpu.SemaphoreType.DMA,
            pltpu.SemaphoreType.DMA,
            pltpu.SemaphoreType.DMA,
            pltpu.SemaphoreType.DMA,
            pltpu.SemaphoreType.DMA,
        ],
    )
    def gather_k(vals_hbm, ids_hbm, out_hbm, vals_v, idx0, idx1, out0, out1,
                 sv, si0, si1, so0, so1):
        wid = lax.axis_index("s") * nc + lax.axis_index("c")
        base = wid * rows_per_tile
        vcp = pltpu.async_copy(vals_hbm, vals_v, sv)
        pltpu.async_copy(ids_hbm.at[pl.ds(base, rc), :], idx0, si0)
        vcp.wait()

        def do_chunk(row, idx_v, out_v, so):
            @plsc.parallel_loop(0, rc, step=1, unroll=2)
            def _row(i):
                for c16 in starts:
                    ids16 = idx_v[i, pl.ds(c16, 16)]
                    ids16 = jnp.minimum(jnp.maximum(ids16, 0), _MAX_ID)
                    out_v[i, pl.ds(c16, 16)] = plsc.load_gather(vals_v, [ids16])

            pltpu.async_copy(out_v, out_hbm.at[pl.ds(row, rc), :], so)

        def pair_body(p, carry):
            r0 = base + 2 * p * rc
            r1 = r0 + rc
            pltpu.async_copy(ids_hbm.at[pl.ds(r1, rc), :], idx1, si1)
            pltpu.make_async_copy(ids_hbm.at[pl.ds(r0, rc), :], idx0, si0).wait()

            @pl.when(p > 0)
            def _():
                pltpu.make_async_copy(
                    out0, out_hbm.at[pl.ds(r0 - 2 * rc, rc), :], so0).wait()

            do_chunk(r0, idx0, out0, so0)

            @pl.when(p < n_pairs - 1)
            def _():
                pltpu.async_copy(ids_hbm.at[pl.ds(r1 + rc, rc), :], idx0, si0)

            pltpu.make_async_copy(ids_hbm.at[pl.ds(r1, rc), :], idx1, si1).wait()

            @pl.when(p > 0)
            def _():
                pltpu.make_async_copy(
                    out1, out_hbm.at[pl.ds(r1 - 2 * rc, rc), :], so1).wait()

            do_chunk(r1, idx1, out1, so1)
            return carry

        lax.fori_loop(0, n_pairs, pair_body, 0)
        last0 = base + 2 * (n_pairs - 1) * rc
        pltpu.make_async_copy(out0, out_hbm.at[pl.ds(last0, rc), :], so0).wait()
        pltpu.make_async_copy(out1, out_hbm.at[pl.ds(last0 + rc, rc), :], so1).wait()

    return gather_k


def kernel(league_ids, table, W1, b1, W2, b2):
    vals = _row_vals(table, W1, b1, W2, b2)
    nrows, ncols = league_ids.shape
    return _gather_kernel(nrows, ncols)(vals, league_ids)

# --- scband reference (transcript-rebuilt; emitter-appended) ---
"""Pipeline reference for scband-league-embedding-47957604827362 (READ-ONLY COPY).

The authoritative reference and input builder live on the scoring server;
editing this copy changes nothing except your own understanding.
"""

import jax, jax.numpy as jnp
import numpy as np

NUM_LEAGUES = 100000
EMBED_DIM = 16
BATCH = 16384
HIST = 200


def setup_inputs(seed: int = 0) -> dict:
    key = jax.random.key(seed)
    k1, k2, k3, k4 = jax.random.split(key, 4)
    league_ids = jax.random.randint(k1, (BATCH, HIST), 0, NUM_LEAGUES + 1, dtype=jnp.int32)
    table = jax.random.normal(k2, (NUM_LEAGUES + 1, EMBED_DIM), dtype=jnp.float32) * 0.02
    W1 = jax.random.normal(k3, (8, EMBED_DIM), dtype=jnp.float32) / np.sqrt(EMBED_DIM)
    b1 = jnp.zeros((8,), dtype=jnp.float32)
    W2 = jax.random.normal(k4, (1, 8), dtype=jnp.float32) / np.sqrt(8)
    b2 = jnp.zeros((1,), dtype=jnp.float32)
    return {"league_ids": league_ids, "table": table, "W1": W1, "b1": b1, "W2": W2, "b2": b2}


def reference(league_ids, table, W1, b1, W2, b2):
    ids = jnp.clip(league_ids, 0, NUM_LEAGUES)
    embedded = jnp.take(table, ids, axis=0)  # [B, L, E] gather
    h = jax.nn.relu(embedded @ W1.T + b1)
    weights = jax.nn.sigmoid(h @ W2.T + b2)
    return jnp.squeeze(weights, axis=-1)

if __name__ == "__main__":
    import jax
    _d = setup_inputs()
    print(jax.jit(kernel)(*tuple(_d.values())))

</pallas_src>

<mosaic_0001>
#map = affine_map<(d0, d1) -> (0)>
#map1 = affine_map<(d0, d1) -> (0, 0)>
module attributes {stable_mosaic.version = 14 : i64} {
  func.func @gather_k(%arg0: i32, %arg1: i32, %arg2: memref<106496xf32, #tpu.memory_space<hbm>>, %arg3: memref<16384x200xi32, #tpu.memory_space<hbm>>, %arg4: memref<16384x200xf32, #tpu.memory_space<hbm>>, %arg5: memref<106496xf32, #tpu.memory_space<vmem>>, %arg6: memref<16x200xi32, #tpu.memory_space<vmem>>, %arg7: memref<16x200xi32, #tpu.memory_space<vmem>>, %arg8: memref<16x200xf32, #tpu.memory_space<vmem>>, %arg9: memref<16x200xf32, #tpu.memory_space<vmem>>, %arg10: memref<!tpu.dma_semaphore, #tpu.memory_space<semaphore_mem>>, %arg11: memref<!tpu.dma_semaphore, #tpu.memory_space<semaphore_mem>>, %arg12: memref<!tpu.dma_semaphore, #tpu.memory_space<semaphore_mem>>, %arg13: memref<!tpu.dma_semaphore, #tpu.memory_space<semaphore_mem>>, %arg14: memref<!tpu.dma_semaphore, #tpu.memory_space<semaphore_mem>>) attributes {dimension_semantics = [#tpu.dimension_semantics<core_parallel>, #tpu.dimension_semantics<subcore_parallel>], iteration_bounds = array<i64: 2, 16>, scalar_prefetch = 0 : i64, scratch_operands = 10 : i64, tpu.core_type = #tpu.core_type<sc_vector_subcore>, window_params = [{transform_indices = #map}, {transform_indices = #map1}, {transform_indices = #map1}]} {
    %mul3A = arith.constant 2 : i32
    %mul3A_0 = arith.muli %arg1, %mul3A : i32
    %add3A = arith.addi %mul3A_0, %arg0 : i32
    %mul3A_1 = arith.constant 512 : i32
    %mul3A_2 = arith.muli %add3A, %mul3A_1 : i32
    tpu.enqueue_dma source(%arg2 : memref<106496xf32, #tpu.memory_space<hbm>>) target(%arg5 : memref<106496xf32, #tpu.memory_space<vmem>>) target_semaphore(%arg10 : memref<!tpu.dma_semaphore, #tpu.memory_space<semaphore_mem>>)
    %dma_start3A = arith.constant 0 : i32
    %dma_start3A_3 = tpu.memref_slice %arg3[%mul3A_2, %dma_start3A] : memref<16384x200xi32, #tpu.memory_space<hbm>> -> memref<16x200xi32, #tpu.memory_space<hbm>>
    %dma_start3A_4 = arith.constant 0 : i32
    %dma_start3A_5 = tpu.memref_slice %arg3[%mul3A_2, %dma_start3A_4] : memref<16384x200xi32, #tpu.memory_space<hbm>> -> memref<16x200xi32, #tpu.memory_space<hbm>>
    tpu.enqueue_dma source(%dma_start3A_5 : memref<16x200xi32, #tpu.memory_space<hbm>>) target(%arg6 : memref<16x200xi32, #tpu.memory_space<vmem>>) target_semaphore(%arg11 : memref<!tpu.dma_semaphore, #tpu.memory_space<semaphore_mem>>)
    tpu.wait_dma2 semaphore(%arg10 : memref<!tpu.dma_semaphore, #tpu.memory_space<semaphore_mem>>) src(%arg2 : memref<106496xf32, #tpu.memory_space<hbm>>) dst(%arg5 : memref<106496xf32, #tpu.memory_space<vmem>>)
    %scan3A = arith.constant 0 : i32
    %scan3A_6 = arith.constant 0 : i32
    %scan3A_7 = arith.constant 16 : i32
    %scan3A_8 = arith.addi %scan3A_6, %scan3A_7 : i32
    %scan3A_9 = arith.constant 1 : i32
    scf.for %scan3A_22 = %scan3A_6 to %scan3A_8 step %scan3A_9  : i32 {
      %mul3A_23 = arith.constant 2 : i32
      %mul3A_24 = arith.muli %mul3A_23, %scan3A_22 : i32
      %mul3A_25 = arith.constant 16 : i32
      %mul3A_26 = arith.muli %mul3A_24, %mul3A_25 : i32
      %add3A_27 = arith.addi %mul3A_2, %mul3A_26 : i32
      %add3A_28 = arith.constant 16 : i32
      %add3A_29 = arith.addi %add3A_27, %add3A_28 : i32
      %dma_start3A_30 = arith.constant 0 : i32
      %dma_start3A_31 = tpu.memref_slice %arg3[%add3A_29, %dma_start3A_30] : memref<16384x200xi32, #tpu.memory_space<hbm>> -> memref<16x200xi32, #tpu.memory_space<hbm>>
      %dma_start3A_32 = arith.constant 0 : i32
      %dma_start3A_33 = tpu.memref_slice %arg3[%add3A_29, %dma_start3A_32] : memref<16384x200xi32, #tpu.memory_space<hbm>> -> memref<16x200xi32, #tpu.memory_space<hbm>>
      tpu.enqueue_dma source(%dma_start3A_33 : memref<16x200xi32, #tpu.memory_space<hbm>>) target(%arg7 : memref<16x200xi32, #tpu.memory_space<vmem>>) target_semaphore(%arg12 : memref<!tpu.dma_semaphore, #tpu.memory_space<semaphore_mem>>)
      %dma_wait3A_34 = arith.constant 0 : i32
      %dma_wait3A_35 = tpu.memref_slice %arg3[%add3A_27, %dma_wait3A_34] : memref<16384x200xi32, #tpu.memory_space<hbm>> -> memref<16x200xi32, #tpu.memory_space<hbm>>
      %dma_wait3A_36 = arith.constant 0 : i32
      %dma_wait3A_37 = tpu.memref_slice %arg3[%add3A_27, %dma_wait3A_36] : memref<16384x200xi32, #tpu.memory_space<hbm>> -> memref<16x200xi32, #tpu.memory_space<hbm>>
      tpu.wait_dma2 semaphore(%arg11 : memref<!tpu.dma_semaphore, #tpu.memory_space<semaphore_mem>>) src(%dma_wait3A_37 : memref<16x200xi32, #tpu.memory_space<hbm>>) dst(%arg6 : memref<16x200xi32, #tpu.memory_space<vmem>>)
      %gt3A = arith.constant 0 : i32
      %gt3A_38 = arith.cmpi sgt, %scan3A_22, %gt3A : i32
      %convert_element_type3A = arith.extui %gt3A_38 : i1 to i32
      %cond3A = arith.constant 0 : i32
      %cond3A_39 = arith.cmpi ne, %convert_element_type3A, %cond3A : i32
      scf.if %cond3A_39 {
        %sub3A = arith.constant 32 : i32
        %sub3A_66 = arith.subi %add3A_27, %sub3A : i32
        %dma_wait3A_67 = arith.constant 0 : i32
        %dma_wait3A_68 = tpu.memref_slice %arg4[%sub3A_66, %dma_wait3A_67] : memref<16384x200xf32, #tpu.memory_space<hbm>> -> memref<16x200xf32, #tpu.memory_space<hbm>>
        %dma_wait3A_69 = arith.constant 0 : i32
        %dma_wait3A_70 = tpu.memref_slice %arg4[%sub3A_66, %dma_wait3A_69] : memref<16384x200xf32, #tpu.memory_space<hbm>> -> memref<16x200xf32, #tpu.memory_space<hbm>>
        tpu.wait_dma2 semaphore(%arg13 : memref<!tpu.dma_semaphore, #tpu.memory_space<semaphore_mem>>) src(%arg8 : memref<16x200xf32, #tpu.memory_space<vmem>>) dst(%dma_wait3A_70 : memref<16x200xf32, #tpu.memory_space<hbm>>)
      } else {
      }
      %parallel_loop3A = arith.constant 0 : i32
      %parallel_loop3A_40 = arith.constant 16 : i32
      %parallel_loop3A_41 = arith.constant 1 : i32
      scf.for %parallel_loop3A_66 = %parallel_loop3A to %parallel_loop3A_40 step %parallel_loop3A_41  : i32 {
        %parallel_loop3A_67 = arith.index_cast %parallel_loop3A_66 : i32 to index
        %parallel_loop3A_68 = arith.constant 0 : index
        %parallel_loop3A_69 = tpu.vector_load %arg6[%parallel_loop3A_67, %parallel_loop3A_68] {strides = array<i32>} : memref<16x200xi32, #tpu.memory_space<vmem>>, vector<16xi32>,
        %parallel_loop3A_70 = arith.constant 0 : i32
        %parallel_loop3A_71 = vector.broadcast %parallel_loop3A_70 : i32 to vector<16xi32>
        %parallel_loop3A_72 = arith.maxsi %parallel_loop3A_69, %parallel_loop3A_71 : vector<16xi32>
        %parallel_loop3A_73 = arith.constant 100000 : i32
        %parallel_loop3A_74 = vector.broadcast %parallel_loop3A_73 : i32 to vector<16xi32>
        %parallel_loop3A_75 = arith.minsi %parallel_loop3A_72, %parallel_loop3A_74 : vector<16xi32>
        %parallel_loop3A_76 = tpu.vector_load_idx %arg5[%parallel_loop3A_75] : memref<106496xf32, #tpu.memory_space<vmem>>[vector<16xi32>], vector<16xf32>,
        %parallel_loop3A_77 = arith.index_cast %parallel_loop3A_66 : i32 to index
        %parallel_loop3A_78 = arith.constant 0 : index
        %parallel_loop3A_79 = tpu.vector_load %arg8[%parallel_loop3A_77, %parallel_loop3A_78] {strides = array<i32>} : memref<16x200xf32, #tpu.memory_space<vmem>>, vector<16xf32>,
        tpu.vector_store %arg8[%parallel_loop3A_77, %parallel_loop3A_78], %parallel_loop3A_76 {strides = array<i32>} : memref<16x200xf32, #tpu.memory_space<vmem>>, vector<16xf32>,
        %parallel_loop3A_80 = arith.index_cast %parallel_loop3A_66 : i32 to index
        %parallel_loop3A_81 = arith.constant 16 : index
        %parallel_loop3A_82 = tpu.vector_load %arg6[%parallel_loop3A_80, %parallel_loop3A_81] {strides = array<i32>} : memref<16x200xi32, #tpu.memory_space<vmem>>, vector<16xi32>,
        %parallel_loop3A_83 = arith.constant 0 : i32
        %parallel_loop3A_84 = vector.broadcast %parallel_loop3A_83 : i32 to vector<16xi32>
        %parallel_loop3A_85 = arith.maxsi %parallel_loop3A_82, %parallel_loop3A_84 : vector<16xi32>
        %parallel_loop3A_86 = arith.constant 100000 : i32
        %parallel_loop3A_87 = vector.broadcast %parallel_loop3A_86 : i32 to vector<16xi32>
        %parallel_loop3A_88 = arith.minsi %parallel_loop3A_85, %parallel_loop3A_87 : vector<16xi32>
        %parallel_loop3A_89 = tpu.vector_load_idx %arg5[%parallel_loop3A_88] : memref<106496xf32, #tpu.memory_space<vmem>>[vector<16xi32>], vector<16xf32>,
        %parallel_loop3A_90 = arith.index_cast %parallel_loop3A_66 : i32 to index
        %parallel_loop3A_91 = arith.constant 16 : index
        %parallel_loop3A_92 = tpu.vector_load %arg8[%parallel_loop3A_90, %parallel_loop3A_91] {strides = array<i32>} : memref<16x200xf32, #tpu.memory_space<vmem>>, vector<16xf32>,
        tpu.vector_store %arg8[%parallel_loop3A_90, %parallel_loop3A_91], %parallel_loop3A_89 {strides = array<i32>} : memref<16x200xf32, #tpu.memory_space<vmem>>, vector<16xf32>,
        %parallel_loop3A_93 = arith.index_cast %parallel_loop3A_66 : i32 to index
        %parallel_loop3A_94 = arith.constant 32 : index
        %parallel_loop3A_95 = tpu.vector_load %arg6[%parallel_loop3A_93, %parallel_loop3A_94] {strides = array<i32>} : memref<16x200xi32, #tpu.memory_space<vmem>>, vector<16xi32>,
        %parallel_loop3A_96 = arith.constant 0 : i32
        %parallel_loop3A_97 = vector.broadcast %parallel_loop3A_96 : i32 to vector<16xi32>
        %parallel_loop3A_98 = arith.maxsi %parallel_loop3A_95, %parallel_loop3A_97 : vector<16xi32>
        %parallel_loop3A_99 = arith.constant 100000 : i32
        %parallel_loop3A_100 = vector.broadcast %parallel_loop3A_99 : i32 to vector<16xi32>
        %parallel_loop3A_101 = arith.minsi %parallel_loop3A_98, %parallel_loop3A_100 : vector<16xi32>
        %parallel_loop3A_102 = tpu.vector_load_idx %arg5[%parallel_loop3A_101] : memref<106496xf32, #tpu.memory_space<vmem>>[vector<16xi32>], vector<16xf32>,
        %parallel_loop3A_103 = arith.index_cast %parallel_loop3A_66 : i32 to index
        %parallel_loop3A_104 = arith.constant 32 : index
        %parallel_loop3A_105 = tpu.vector_load %arg8[%parallel_loop3A_103, %parallel_loop3A_104] {strides = array<i32>} : memref<16x200xf32, #tpu.memory_space<vmem>>, vector<16xf32>,
        tpu.vector_store %arg8[%parallel_loop3A_103, %parallel_loop3A_104], %parallel_loop3A_102 {strides = array<i32>} : memref<16x200xf32, #tpu.memory_space<vmem>>, vector<16xf32>,
        %parallel_loop3A_106 = arith.index_cast %parallel_loop3A_66 : i32 to index
        %parallel_loop3A_107 = arith.constant 48 : index
        %parallel_loop3A_108 = tpu.vector_load %arg6[%parallel_loop3A_106, %parallel_loop3A_107] {strides = array<i32>} : memref<16x200xi32, #tpu.memory_space<vmem>>, vector<16xi32>,
        %parallel_loop3A_109 = arith.constant 0 : i32
        %parallel_loop3A_110 = vector.broadcast %parallel_loop3A_109 : i32 to vector<16xi32>
        %parallel_loop3A_111 = arith.maxsi %parallel_loop3A_108, %parallel_loop3A_110 : vector<16xi32>
        %parallel_loop3A_112 = arith.constant 100000 : i32
        %parallel_loop3A_113 = vector.broadcast %parallel_loop3A_112 : i32 to vector<16xi32>
        %parallel_loop3A_114 = arith.minsi %parallel_loop3A_111, %parallel_loop3A_113 : vector<16xi32>
        %parallel_loop3A_115 = tpu.vector_load_idx %arg5[%parallel_loop3A_114] : memref<106496xf32, #tpu.memory_space<vmem>>[vector<16xi32>], vector<16xf32>,
        %parallel_loop3A_116 = arith.index_cast %parallel_loop3A_66 : i32 to index
        %parallel_loop3A_117 = arith.constant 48 : index
        %parallel_loop3A_118 = tpu.vector_load %arg8[%parallel_loop3A_116, %parallel_loop3A_117] {strides = array<i32>} : memref<16x200xf32, #tpu.memory_space<vmem>>, vector<16xf32>,
        tpu.vector_store %arg8[%parallel_loop3A_116, %parallel_loop3A_117], %parallel_loop3A_115 {strides = array<i32>} : memref<16x200xf32, #tpu.memory_space<vmem>>, vector<16xf32>,
        %parallel_loop3A_119 = arith.index_cast %parallel_loop3A_66 : i32 to index
        %parallel_loop3A_120 = arith.constant 64 : index
        %parallel_loop3A_121 = tpu.vector_load %arg6[%parallel_loop3A_119, %parallel_loop3A_120] {strides = array<i32>} : memref<16x200xi32, #tpu.memory_space<vmem>>, vector<16xi32>,
        %parallel_loop3A_122 = arith.constant 0 : i32
        %parallel_loop3A_123 = vector.broadcast %parallel_loop3A_122 : i32 to vector<16xi32>
        %parallel_loop3A_124 = arith.maxsi %parallel_loop3A_121, %parallel_loop3A_123 : vector<16xi32>
        %parallel_loop3A_125 = arith.constant 100000 : i32
        %parallel_loop3A_126 = vector.broadcast %parallel_loop3A_125 : i32 to vector<16xi32>
        %parallel_loop3A_127 = arith.minsi %parallel_loop3A_124, %parallel_loop3A_126 : vector<16xi32>
        %parallel_loop3A_128 = tpu.vector_load_idx %arg5[%parallel_loop3A_127] : memref<106496xf32, #tpu.memory_space<vmem>>[vector<16xi32>], vector<16xf32>,
        %parallel_loop3A_129 = arith.index_cast %parallel_loop3A_66 : i32 to index
        %parallel_loop3A_130 = arith.constant 64 : index
        %parallel_loop3A_131 = tpu.vector_load %arg8[%parallel_loop3A_129, %parallel_loop3A_130] {strides = array<i32>} : memref<16x200xf32, #tpu.memory_space<vmem>>, vector<16xf32>,
        tpu.vector_store %arg8[%parallel_loop3A_129, %parallel_loop3A_130], %parallel_loop3A_128 {strides = array<i32>} : memref<16x200xf32, #tpu.memory_space<vmem>>, vector<16xf32>,
        %parallel_loop3A_132 = arith.index_cast %parallel_loop3A_66 : i32 to index
        %parallel_loop3A_133 = arith.constant 80 : index
        %parallel_loop3A_134 = tpu.vector_load %arg6[%parallel_loop3A_132, %parallel_loop3A_133] {strides = array<i32>} : memref<16x200xi32, #tpu.memory_space<vmem>>, vector<16xi32>,
        %parallel_loop3A_135 = arith.constant 0 : i32
        %parallel_loop3A_136 = vector.broadcast %parallel_loop3A_135 : i32 to vector<16xi32>
        %parallel_loop3A_137 = arith.maxsi %parallel_loop3A_134, %parallel_loop3A_136 : vector<16xi32>
        %parallel_loop3A_138 = arith.constant 100000 : i32
        %parallel_loop3A_139 = vector.broadcast %parallel_loop3A_138 : i32 to vector<16xi32>
        %parallel_loop3A_140 = arith.minsi %parallel_loop3A_137, %parallel_loop3A_139 : vector<16xi32>
        %parallel_loop3A_141 = tpu.vector_load_idx %arg5[%parallel_loop3A_140] : memref<106496xf32, #tpu.memory_space<vmem>>[vector<16xi32>], vector<16xf32>,
        %parallel_loop3A_142 = arith.index_cast %parallel_loop3A_66 : i32 to index
        %parallel_loop3A_143 = arith.constant 80 : index
        %parallel_loop3A_144 = tpu.vector_load %arg8[%parallel_loop3A_142, %parallel_loop3A_143] {strides = array<i32>} : memref<16x200xf32, #tpu.memory_space<vmem>>, vector<16xf32>,
        tpu.vector_store %arg8[%parallel_loop3A_142, %parallel_loop3A_143], %parallel_loop3A_141 {strides = array<i32>} : memref<16x200xf32, #tpu.memory_space<vmem>>, vector<16xf32>,
        %parallel_loop3A_145 = arith.index_cast %parallel_loop3A_66 : i32 to index
        %parallel_loop3A_146 = arith.constant 96 : index
        %parallel_loop3A_147 = tpu.vector_load %arg6[%parallel_loop3A_145, %parallel_loop3A_146] {strides = array<i32>} : memref<16x200xi32, #tpu.memory_space<vmem>>, vector<16xi32>,
        %parallel_loop3A_148 = arith.constant 0 : i32
        %parallel_loop3A_149 = vector.broadcast %parallel_loop3A_148 : i32 to vector<16xi32>
        %parallel_loop3A_150 = arith.maxsi %parallel_loop3A_147, %parallel_loop3A_149 : vector<16xi32>
        %parallel_loop3A_151 = arith.constant 100000 : i32
        %parallel_loop3A_152 = vector.broadcast %parallel_loop3A_151 : i32 to vector<16xi32>
        %parallel_loop3A_153 = arith.minsi %parallel_loop3A_150, %parallel_loop3A_152 : vector<16xi32>
        %parallel_loop3A_154 = tpu.vector_load_idx %arg5[%parallel_loop3A_153] : memref<106496xf32, #tpu.memory_space<vmem>>[vector<16xi32>], vector<16xf32>,
        %parallel_loop3A_155 = arith.index_cast %parallel_loop3A_66 : i32 to index
        %parallel_loop3A_156 = arith.constant 96 : index
        %parallel_loop3A_157 = tpu.vector_load %arg8[%parallel_loop3A_155, %parallel_loop3A_156] {strides = array<i32>} : memref<16x200xf32, #tpu.memory_space<vmem>>, vector<16xf32>,
        tpu.vector_store %arg8[%parallel_loop3A_155, %parallel_loop3A_156], %parallel_loop3A_154 {strides = array<i32>} : memref<16x200xf32, #tpu.memory_space<vmem>>, vector<16xf32>,
        %parallel_loop3A_158 = arith.index_cast %parallel_loop3A_66 : i32 to index
        %parallel_loop3A_159 = arith.constant 112 : index
        %parallel_loop3A_160 = tpu.vector_load %arg6[%parallel_loop3A_158, %parallel_loop3A_159] {strides = array<i32>} : memref<16x200xi32, #tpu.memory_space<vmem>>, vector<16xi32>,
        %parallel_loop3A_161 = arith.constant 0 : i32
        %parallel_loop3A_162 = vector.broadcast %parallel_loop3A_161 : i32 to vector<16xi32>
        %parallel_loop3A_163 = arith.maxsi %parallel_loop3A_160, %parallel_loop3A_162 : vector<16xi32>
        %parallel_loop3A_164 = arith.constant 100000 : i32
        %parallel_loop3A_165 = vector.broadcast %parallel_loop3A_164 : i32 to vector<16xi32>
        %parallel_loop3A_166 = arith.minsi %parallel_loop3A_163, %parallel_loop3A_165 : vector<16xi32>
        %parallel_loop3A_167 = tpu.vector_load_idx %arg5[%parallel_loop3A_166] : memref<106496xf32, #tpu.memory_space<vmem>>[vector<16xi32>], vector<16xf32>,
        %parallel_loop3A_168 = arith.index_cast %parallel_loop3A_66 : i32 to index
        %parallel_loop3A_169 = arith.constant 112 : index
        %parallel_loop3A_170 = tpu.vector_load %arg8[%parallel_loop3A_168, %parallel_loop3A_169] {strides = array<i32>} : memref<16x200xf32, #tpu.memory_space<vmem>>, vector<16xf32>,
        tpu.vector_store %arg8[%parallel_loop3A_168, %parallel_loop3A_169], %parallel_loop3A_167 {strides = array<i32>} : memref<16x200xf32, #tpu.memory_space<vmem>>, vector<16xf32>,
        %parallel_loop3A_171 = arith.index_cast %parallel_loop3A_66 : i32 to index
        %parallel_loop3A_172 = arith.constant 128 : index
        %parallel_loop3A_173 = tpu.vector_load %arg6[%parallel_loop3A_171, %parallel_loop3A_172] {strides = array<i32>} : memref<16x200xi32, #tpu.memory_space<vmem>>, vector<16xi32>,
        %parallel_loop3A_174 = arith.constant 0 : i32
        %parallel_loop3A_175 = vector.broadcast %parallel_loop3A_174 : i32 to vector<16xi32>
        %parallel_loop3A_176 = arith.maxsi %parallel_loop3A_173, %parallel_loop3A_175 : vector<16xi32>
        %parallel_loop3A_177 = arith.constant 100000 : i32
        %parallel_loop3A_178 = vector.broadcast %parallel_loop3A_177 : i32 to vector<16xi32>
        %parallel_loop3A_179 = arith.minsi %parallel_loop3A_176, %parallel_loop3A_178 : vector<16xi32>
        %parallel_loop3A_180 = tpu.vector_load_idx %arg5[%parallel_loop3A_179] : memref<106496xf32, #tpu.memory_space<vmem>>[vector<16xi32>], vector<16xf32>,
        %parallel_loop3A_181 = arith.index_cast %parallel_loop3A_66 : i32 to index
        %parallel_loop3A_182 = arith.constant 128 : index
        %parallel_loop3A_183 = tpu.vector_load %arg8[%parallel_loop3A_181, %parallel_loop3A_182] {strides = array<i32>} : memref<16x200xf32, #tpu.memory_space<vmem>>, vector<16xf32>,
        tpu.vector_store %arg8[%parallel_loop3A_181, %parallel_loop3A_182], %parallel_loop3A_180 {strides = array<i32>} : memref<16x200xf32, #tpu.memory_space<vmem>>, vector<16xf32>,
        %parallel_loop3A_184 = arith.index_cast %parallel_loop3A_66 : i32 to index
        %parallel_loop3A_185 = arith.constant 144 : index
        %parallel_loop3A_186 = tpu.vector_load %arg6[%parallel_loop3A_184, %parallel_loop3A_185] {strides = array<i32>} : memref<16x200xi32, #tpu.memory_space<vmem>>, vector<16xi32>,
        %parallel_loop3A_187 = arith.constant 0 : i32
        %parallel_loop3A_188 = vector.broadcast %parallel_loop3A_187 : i32 to vector<16xi32>
        %parallel_loop3A_189 = arith.maxsi %parallel_loop3A_186, %parallel_loop3A_188 : vector<16xi32>
        %parallel_loop3A_190 = arith.constant 100000 : i32
        %parallel_loop3A_191 = vector.broadcast %parallel_loop3A_190 : i32 to vector<16xi32>
        %parallel_loop3A_192 = arith.minsi %parallel_loop3A_189, %parallel_loop3A_191 : vector<16xi32>
        %parallel_loop3A_193 = tpu.vector_load_idx %arg5[%parallel_loop3A_192] : memref<106496xf32, #tpu.memory_space<vmem>>[vector<16xi32>], vector<16xf32>,
        %parallel_loop3A_194 = arith.index_cast %parallel_loop3A_66 : i32 to index
        %parallel_loop3A_195 = arith.constant 144 : index
        %parallel_loop3A_196 = tpu.vector_load %arg8[%parallel_loop3A_194, %parallel_loop3A_195] {strides = array<i32>} : memref<16x200xf32, #tpu.memory_space<vmem>>, vector<16xf32>,
        tpu.vector_store %arg8[%parallel_loop3A_194, %parallel_loop3A_195], %parallel_loop3A_193 {strides = array<i32>} : memref<16x200xf32, #tpu.memory_space<vmem>>, vector<16xf32>,
        %parallel_loop3A_197 = arith.index_cast %parallel_loop3A_66 : i32 to index
        %parallel_loop3A_198 = arith.constant 160 : index
        %parallel_loop3A_199 = tpu.vector_load %arg6[%parallel_loop3A_197, %parallel_loop3A_198] {strides = array<i32>} : memref<16x200xi32, #tpu.memory_space<vmem>>, vector<16xi32>,
        %parallel_loop3A_200 = arith.constant 0 : i32
        %parallel_loop3A_201 = vector.broadcast %parallel_loop3A_200 : i32 to vector<16xi32>
        %parallel_loop3A_202 = arith.maxsi %parallel_loop3A_199, %parallel_loop3A_201 : vector<16xi32>
        %parallel_loop3A_203 = arith.constant 100000 : i32
        %parallel_loop3A_204 = vector.broadcast %parallel_loop3A_203 : i32 to vector<16xi32>
        %parallel_loop3A_205 = arith.minsi %parallel_loop3A_202, %parallel_loop3A_204 : vector<16xi32>
        %parallel_loop3A_206 = tpu.vector_load_idx %arg5[%parallel_loop3A_205] : memref<106496xf32, #tpu.memory_space<vmem>>[vector<16xi32>], vector<16xf32>,
        %parallel_loop3A_207 = arith.index_cast %parallel_loop3A_66 : i32 to index
        %parallel_loop3A_208 = arith.constant 160 : index
        %parallel_loop3A_209 = tpu.vector_load %arg8[%parallel_loop3A_207, %parallel_loop3A_208] {strides = array<i32>} : memref<16x200xf32, #tpu.memory_space<vmem>>, vector<16xf32>,
        tpu.vector_store %arg8[%parallel_loop3A_207, %parallel_loop3A_208], %parallel_loop3A_206 {strides = array<i32>} : memref<16x200xf32, #tpu.memory_space<vmem>>, vector<16xf32>,
        %parallel_loop3A_210 = arith.index_cast %parallel_loop3A_66 : i32 to index
        %parallel_loop3A_211 = arith.constant 176 : index
        %parallel_loop3A_212 = tpu.vector_load %arg6[%parallel_loop3A_210, %parallel_loop3A_211] {strides = array<i32>} : memref<16x200xi32, #tpu.memory_space<vmem>>, vector<16xi32>,
        %parallel_loop3A_213 = arith.constant 0 : i32
        %parallel_loop3A_214 = vector.broadcast %parallel_loop3A_213 : i32 to vector<16xi32>
        %parallel_loop3A_215 = arith.maxsi %parallel_loop3A_212, %parallel_loop3A_214 : vector<16xi32>
        %parallel_loop3A_216 = arith.constant 100000 : i32
        %parallel_loop3A_217 = vector.broadcast %parallel_loop3A_216 : i32 to vector<16xi32>
        %parallel_loop3A_218 = arith.minsi %parallel_loop3A_215, %parallel_loop3A_217 : vector<16xi32>
        %parallel_loop3A_219 = tpu.vector_load_idx %arg5[%parallel_loop3A_218] : memref<106496xf32, #tpu.memory_space<vmem>>[vector<16xi32>], vector<16xf32>,
        %parallel_loop3A_220 = arith.index_cast %parallel_loop3A_66 : i32 to index
        %parallel_loop3A_221 = arith.constant 176 : index
        %parallel_loop3A_222 = tpu.vector_load %arg8[%parallel_loop3A_220, %parallel_loop3A_221] {strides = array<i32>} : memref<16x200xf32, #tpu.memory_space<vmem>>, vector<16xf32>,
        tpu.vector_store %arg8[%parallel_loop3A_220, %parallel_loop3A_221], %parallel_loop3A_219 {strides = array<i32>} : memref<16x200xf32, #tpu.memory_space<vmem>>, vector<16xf32>,
        %parallel_loop3A_223 = arith.index_cast %parallel_loop3A_66 : i32 to index
        %parallel_loop3A_224 = arith.constant 184 : index
        %parallel_loop3A_225 = tpu.vector_load %arg6[%parallel_loop3A_223, %parallel_loop3A_224] {strides = array<i32>} : memref<16x200xi32, #tpu.memory_space<vmem>>, vector<16xi32>,
        %parallel_loop3A_226 = arith.constant 0 : i32
        %parallel_loop3A_227 = vector.broadcast %parallel_loop3A_226 : i32 to vector<16xi32>
        %parallel_loop3A_228 = arith.maxsi %parallel_loop3A_225, %parallel_loop3A_227 : vector<16xi32>
        %parallel_loop3A_229 = arith.constant 100000 : i32
        %parallel_loop3A_230 = vector.broadcast %parallel_loop3A_229 : i32 to vector<16xi32>
        %parallel_loop3A_231 = arith.minsi %parallel_loop3A_228, %parallel_loop3A_230 : vector<16xi32>
        %parallel_loop3A_232 = tpu.vector_load_idx %arg5[%parallel_loop3A_231] : memref<106496xf32, #tpu.memory_space<vmem>>[vector<16xi32>], vector<16xf32>,
        %parallel_loop3A_233 = arith.index_cast %parallel_loop3A_66 : i32 to index
        %parallel_loop3A_234 = arith.constant 184 : index
        %parallel_loop3A_235 = tpu.vector_load %arg8[%parallel_loop3A_233, %parallel_loop3A_234] {strides = array<i32>} : memref<16x200xf32, #tpu.memory_space<vmem>>, vector<16xf32>,
        tpu.vector_store %arg8[%parallel_loop3A_233, %parallel_loop3A_234], %parallel_loop3A_232 {strides = array<i32>} : memref<16x200xf32, #tpu.memory_space<vmem>>, vector<16xf32>,
      } {sc.loop_unroll_factor = 2 : i64, sc.parallel_access}
      %dma_start3A_42 = arith.constant 0 : i32
      %dma_start3A_43 = tpu.memref_slice %arg4[%add3A_27, %dma_start3A_42] : memref<16384x200xf32, #tpu.memory_space<hbm>> -> memref<16x200xf32, #tpu.memory_space<hbm>>
      %dma_start3A_44 = arith.constant 0 : i32
      %dma_start3A_45 = tpu.memref_slice %arg4[%add3A_27, %dma_start3A_44] : memref<16384x200xf32, #tpu.memory_space<hbm>> -> memref<16x200xf32, #tpu.memory_space<hbm>>
      tpu.enqueue_dma source(%arg8 : memref<16x200xf32, #tpu.memory_space<vmem>>) target(%dma_start3A_45 : memref<16x200xf32, #tpu.memory_space<hbm>>) target_semaphore(%arg13 : memref<!tpu.dma_semaphore, #tpu.memory_space<semaphore_mem>>)
      %lt3A = arith.constant 15 : i32
      %lt3A_46 = arith.cmpi slt, %scan3A_22, %lt3A : i32
      %convert_element_type3A_47 = arith.extui %lt3A_46 : i1 to i32
      %cond3A_48 = arith.constant 0 : i32
      %cond3A_49 = arith.cmpi ne, %convert_element_type3A_47, %cond3A_48 : i32
      scf.if %cond3A_49 {
        %add3A_66 = arith.constant 16 : i32
        %add3A_67 = arith.addi %add3A_29, %add3A_66 : i32
        %dma_start3A_68 = arith.constant 0 : i32
        %dma_start3A_69 = tpu.memref_slice %arg3[%add3A_67, %dma_start3A_68] : memref<16384x200xi32, #tpu.memory_space<hbm>> -> memref<16x200xi32, #tpu.memory_space<hbm>>
        %dma_start3A_70 = arith.constant 0 : i32
        %dma_start3A_71 = tpu.memref_slice %arg3[%add3A_67, %dma_start3A_70] : memref<16384x200xi32, #tpu.memory_space<hbm>> -> memref<16x200xi32, #tpu.memory_space<hbm>>
        tpu.enqueue_dma source(%dma_start3A_71 : memref<16x200xi32, #tpu.memory_space<hbm>>) target(%arg6 : memref<16x200xi32, #tpu.memory_space<vmem>>) target_semaphore(%arg11 : memref<!tpu.dma_semaphore, #tpu.memory_space<semaphore_mem>>)
      } else {
      }
      %dma_wait3A_50 = arith.constant 0 : i32
      %dma_wait3A_51 = tpu.memref_slice %arg3[%add3A_29, %dma_wait3A_50] : memref<16384x200xi32, #tpu.memory_space<hbm>> -> memref<16x200xi32, #tpu.memory_space<hbm>>
      %dma_wait3A_52 = arith.constant 0 : i32
      %dma_wait3A_53 = tpu.memref_slice %arg3[%add3A_29, %dma_wait3A_52] : memref<16384x200xi32, #tpu.memory_space<hbm>> -> memref<16x200xi32, #tpu.memory_space<hbm>>
      tpu.wait_dma2 semaphore(%arg12 : memref<!tpu.dma_semaphore, #tpu.memory_space<semaphore_mem>>) src(%dma_wait3A_53 : memref<16x200xi32, #tpu.memory_space<hbm>>) dst(%arg7 : memref<16x200xi32, #tpu.memory_space<vmem>>)
      %gt3A_54 = arith.constant 0 : i32
      %gt3A_55 = arith.cmpi sgt, %scan3A_22, %gt3A_54 : i32
      %convert_element_type3A_56 = arith.extui %gt3A_55 : i1 to i32
      %cond3A_57 = arith.constant 0 : i32
      %cond3A_58 = arith.cmpi ne, %convert_element_type3A_56, %cond3A_57 : i32
      scf.if %cond3A_58 {
        %sub3A = arith.constant 32 : i32
        %sub3A_66 = arith.subi %add3A_29, %sub3A : i32
        %dma_wait3A_67 = arith.constant 0 : i32
        %dma_wait3A_68 = tpu.memref_slice %arg4[%sub3A_66, %dma_wait3A_67] : memref<16384x200xf32, #tpu.memory_space<hbm>> -> memref<16x200xf32, #tpu.memory_space<hbm>>
        %dma_wait3A_69 = arith.constant 0 : i32
        %dma_wait3A_70 = tpu.memref_slice %arg4[%sub3A_66, %dma_wait3A_69] : memref<16384x200xf32, #tpu.memory_space<hbm>> -> memref<16x200xf32, #tpu.memory_space<hbm>>
        tpu.wait_dma2 semaphore(%arg14 : memref<!tpu.dma_semaphore, #tpu.memory_space<semaphore_mem>>) src(%arg9 : memref<16x200xf32, #tpu.memory_space<vmem>>) dst(%dma_wait3A_70 : memref<16x200xf32, #tpu.memory_space<hbm>>)
      } else {
      }
      %parallel_loop3A_59 = arith.constant 0 : i32
      %parallel_loop3A_60 = arith.constant 16 : i32
      %parallel_loop3A_61 = arith.constant 1 : i32
      scf.for %parallel_loop3A_66 = %parallel_loop3A_59 to %parallel_loop3A_60 step %parallel_loop3A_61  : i32 {
        %parallel_loop3A_67 = arith.index_cast %parallel_loop3A_66 : i32 to index
        %parallel_loop3A_68 = arith.constant 0 : index
        %parallel_loop3A_69 = tpu.vector_load %arg7[%parallel_loop3A_67, %parallel_loop3A_68] {strides = array<i32>} : memref<16x200xi32, #tpu.memory_space<vmem>>, vector<16xi32>,
        %parallel_loop3A_70 = arith.constant 0 : i32
        %parallel_loop3A_71 = vector.broadcast %parallel_loop3A_70 : i32 to vector<16xi32>
        %parallel_loop3A_72 = arith.maxsi %parallel_loop3A_69, %parallel_loop3A_71 : vector<16xi32>
        %parallel_loop3A_73 = arith.constant 100000 : i32
        %parallel_loop3A_74 = vector.broadcast %parallel_loop3A_73 : i32 to vector<16xi32>
        %parallel_loop3A_75 = arith.minsi %parallel_loop3A_72, %parallel_loop3A_74 : vector<16xi32>
        %parallel_loop3A_76 = tpu.vector_load_idx %arg5[%parallel_loop3A_75] : memref<106496xf32, #tpu.memory_space<vmem>>[vector<16xi32>], vector<16xf32>,
        %parallel_loop3A_77 = arith.index_cast %parallel_loop3A_66 : i32 to index
        %parallel_loop3A_78 = arith.constant 0 : index
        %parallel_loop3A_79 = tpu.vector_load %arg9[%parallel_loop3A_77, %parallel_loop3A_78] {strides = array<i32>} : memref<16x200xf32, #tpu.memory_space<vmem>>, vector<16xf32>,
        tpu.vector_store %arg9[%parallel_loop3A_77, %parallel_loop3A_78], %parallel_loop3A_76 {strides = array<i32>} : memref<16x200xf32, #tpu.memory_space<vmem>>, vector<16xf32>,
        %parallel_loop3A_80 = arith.index_cast %parallel_loop3A_66 : i32 to index
        %parallel_loop3A_81 = arith.constant 16 : index
        %parallel_loop3A_82 = tpu.vector_load %arg7[%parallel_loop3A_80, %parallel_loop3A_81] {strides = array<i32>} : memref<16x200xi32, #tpu.memory_space<vmem>>, vector<16xi32>,
        %parallel_loop3A_83 = arith.constant 0 : i32
        %parallel_loop3A_84 = vector.broadcast %parallel_loop3A_83 : i32 to vector<16xi32>
        %parallel_loop3A_85 = arith.maxsi %parallel_loop3A_82, %parallel_loop3A_84 : vector<16xi32>
        %parallel_loop3A_86 = arith.constant 100000 : i32
        %parallel_loop3A_87 = vector.broadcast %parallel_loop3A_86 : i32 to vector<16xi32>
        %parallel_loop3A_88 = arith.minsi %parallel_loop3A_85, %parallel_loop3A_87 : vector<16xi32>
        %parallel_loop3A_89 = tpu.vector_load_idx %arg5[%parallel_loop3A_88] : memref<106496xf32, #tpu.memory_space<vmem>>[vector<16xi32>], vector<16xf32>,
        %parallel_loop3A_90 = arith.index_cast %parallel_loop3A_66 : i32 to index
        %parallel_loop3A_91 = arith.constant 16 : index
        %parallel_loop3A_92 = tpu.vector_load %arg9[%parallel_loop3A_90, %parallel_loop3A_91] {strides = array<i32>} : memref<16x200xf32, #tpu.memory_space<vmem>>, vector<16xf32>,
        tpu.vector_store %arg9[%parallel_loop3A_90, %parallel_loop3A_91], %parallel_loop3A_89 {strides = array<i32>} : memref<16x200xf32, #tpu.memory_space<vmem>>, vector<16xf32>,
        %parallel_loop3A_93 = arith.index_cast %parallel_loop3A_66 : i32 to index
        %parallel_loop3A_94 = arith.constant 32 : index
        %parallel_loop3A_95 = tpu.vector_load %arg7[%parallel_loop3A_93, %parallel_loop3A_94] {strides = array<i32>} : memref<16x200xi32, #tpu.memory_space<vmem>>, vector<16xi32>,
        %parallel_loop3A_96 = arith.constant 0 : i32
        %parallel_loop3A_97 = vector.broadcast %parallel_loop3A_96 : i32 to vector<16xi32>
        %parallel_loop3A_98 = arith.maxsi %parallel_loop3A_95, %parallel_loop3A_97 : vector<16xi32>
        %parallel_loop3A_99 = arith.constant 100000 : i32
        %parallel_loop3A_100 = vector.broadcast %parallel_loop3A_99 : i32 to vector<16xi32>
        %parallel_loop3A_101 = arith.minsi %parallel_loop3A_98, %parallel_loop3A_100 : vector<16xi32>
        %parallel_loop3A_102 = tpu.vector_load_idx %arg5[%parallel_loop3A_101] : memref<106496xf32, #tpu.memory_space<vmem>>[vector<16xi32>], vector<16xf32>,
        %parallel_loop3A_103 = arith.index_cast %parallel_loop3A_66 : i32 to index
        %parallel_loop3A_104 = arith.constant 32 : index
        %parallel_loop3A_105 = tpu.vector_load %arg9[%parallel_loop3A_103, %parallel_loop3A_104] {strides = array<i32>} : memref<16x200xf32, #tpu.memory_space<vmem>>, vector<16xf32>,
        tpu.vector_store %arg9[%parallel_loop3A_103, %parallel_loop3A_104], %parallel_loop3A_102 {strides = array<i32>} : memref<16x200xf32, #tpu.memory_space<vmem>>, vector<16xf32>,
        %parallel_loop3A_106 = arith.index_cast %parallel_loop3A_66 : i32 to index
        %parallel_loop3A_107 = arith.constant 48 : index
        %parallel_loop3A_108 = tpu.vector_load %arg7[%parallel_loop3A_106, %parallel_loop3A_107] {strides = array<i32>} : memref<16x200xi32, #tpu.memory_space<vmem>>, vector<16xi32>,
        %parallel_loop3A_109 = arith.constant 0 : i32
        %parallel_loop3A_110 = vector.broadcast %parallel_loop3A_109 : i32 to vector<16xi32>
        %parallel_loop3A_111 = arith.maxsi %parallel_loop3A_108, %parallel_loop3A_110 : vector<16xi32>
        %parallel_loop3A_112 = arith.constant 100000 : i32
        %parallel_loop3A_113 = vector.broadcast %parallel_loop3A_112 : i32 to vector<16xi32>
        %parallel_loop3A_114 = arith.minsi %parallel_loop3A_111, %parallel_loop3A_113 : vector<16xi32>
        %parallel_loop3A_115 = tpu.vector_load_idx %arg5[%parallel_loop3A_114] : memref<106496xf32, #tpu.memory_space<vmem>>[vector<16xi32>], vector<16xf32>,
        %parallel_loop3A_116 = arith.index_cast %parallel_loop3A_66 : i32 to index
        %parallel_loop3A_117 = arith.constant 48 : index
        %parallel_loop3A_118 = tpu.vector_load %arg9[%parallel_loop3A_116, %parallel_loop3A_117] {strides = array<i32>} : memref<16x200xf32, #tpu.memory_space<vmem>>, vector<16xf32>,
        tpu.vector_store %arg9[%parallel_loop3A_116, %parallel_loop3A_117], %parallel_loop3A_115 {strides = array<i32>} : memref<16x200xf32, #tpu.memory_space<vmem>>, vector<16xf32>,
        %parallel_loop3A_119 = arith.index_cast %parallel_loop3A_66 : i32 to index
        %parallel_loop3A_120 = arith.constant 64 : index
        %parallel_loop3A_121 = tpu.vector_load %arg7[%parallel_loop3A_119, %parallel_loop3A_120] {strides = array<i32>} : memref<16x200xi32, #tpu.memory_space<vmem>>, vector<16xi32>,
        %parallel_loop3A_122 = arith.constant 0 : i32
        %parallel_loop3A_123 = vector.broadcast %parallel_loop3A_122 : i32 to vector<16xi32>
        %parallel_loop3A_124 = arith.maxsi %parallel_loop3A_121, %parallel_loop3A_123 : vector<16xi32>
        %parallel_loop3A_125 = arith.constant 100000 : i32
        %parallel_loop3A_126 = vector.broadcast %parallel_loop3A_125 : i32 to vector<16xi32>
        %parallel_loop3A_127 = arith.minsi %parallel_loop3A_124, %parallel_loop3A_126 : vector<16xi32>
        %parallel_loop3A_128 = tpu.vector_load_idx %arg5[%parallel_loop3A_127] : memref<106496xf32, #tpu.memory_space<vmem>>[vector<16xi32>], vector<16xf32>,
        %parallel_loop3A_129 = arith.index_cast %parallel_loop3A_66 : i32 to index
        %parallel_loop3A_130 = arith.constant 64 : index
        %parallel_loop3A_131 = tpu.vector_load %arg9[%parallel_loop3A_129, %parallel_loop3A_130] {strides = array<i32>} : memref<16x200xf32, #tpu.memory_space<vmem>>, vector<16xf32>,
        tpu.vector_store %arg9[%parallel_loop3A_129, %parallel_loop3A_130], %parallel_loop3A_128 {strides = array<i32>} : memref<16x200xf32, #tpu.memory_space<vmem>>, vector<16xf32>,
        %parallel_loop3A_132 = arith.index_cast %parallel_loop3A_66 : i32 to index
        %parallel_loop3A_133 = arith.constant 80 : index
        %parallel_loop3A_134 = tpu.vector_load %arg7[%parallel_loop3A_132, %parallel_loop3A_133] {strides = array<i32>} : memref<16x200xi32, #tpu.memory_space<vmem>>, vector<16xi32>,
        %parallel_loop3A_135 = arith.constant 0 : i32
        %parallel_loop3A_136 = vector.broadcast %parallel_loop3A_135 : i32 to vector<16xi32>
        %parallel_loop3A_137 = arith.maxsi %parallel_loop3A_134, %parallel_loop3A_136 : vector<16xi32>
        %parallel_loop3A_138 = arith.constant 100000 : i32
        %parallel_loop3A_139 = vector.broadcast %parallel_loop3A_138 : i32 to vector<16xi32>
        %parallel_loop3A_140 = arith.minsi %parallel_loop3A_137, %parallel_loop3A_139 : vector<16xi32>
        %parallel_loop3A_141 = tpu.vector_load_idx %arg5[%parallel_loop3A_140] : memref<106496xf32, #tpu.memory_space<vmem>>[vector<16xi32>], vector<16xf32>,
        %parallel_loop3A_142 = arith.index_cast %parallel_loop3A_66 : i32 to index
        %parallel_loop3A_143 = arith.constant 80 : index
        %parallel_loop3A_144 = tpu.vector_load %arg9[%parallel_loop3A_142, %parallel_loop3A_143] {strides = array<i32>} : memref<16x200xf32, #tpu.memory_space<vmem>>, vector<16xf32>,
        tpu.vector_store %arg9[%parallel_loop3A_142, %parallel_loop3A_143], %parallel_loop3A_141 {strides = array<i32>} : memref<16x200xf32, #tpu.memory_space<vmem>>, vector<16xf32>,
        %parallel_loop3A_145 = arith.index_cast %parallel_loop3A_66 : i32 to index
        %parallel_loop3A_146 = arith.constant 96 : index
        %parallel_loop3A_147 = tpu.vector_load %arg7[%parallel_loop3A_145, %parallel_loop3A_146] {strides = array<i32>} : memref<16x200xi32, #tpu.memory_space<vmem>>, vector<16xi32>,
        %parallel_loop3A_148 = arith.constant 0 : i32
        %parallel_loop3A_149 = vector.broadcast %parallel_loop3A_148 : i32 to vector<16xi32>
        %parallel_loop3A_150 = arith.maxsi %parallel_loop3A_147, %parallel_loop3A_149 : vector<16xi32>
        %parallel_loop3A_151 = arith.constant 100000 : i32
        %parallel_loop3A_152 = vector.broadcast %parallel_loop3A_151 : i32 to vector<16xi32>
        %parallel_loop3A_153 = arith.minsi %parallel_loop3A_150, %parallel_loop3A_152 : vector<16xi32>
        %parallel_loop3A_154 = tpu.vector_load_idx %arg5[%parallel_loop3A_153] : memref<106496xf32, #tpu.memory_space<vmem>>[vector<16xi32>], vector<16xf32>,
        %parallel_loop3A_155 = arith.index_cast %parallel_loop3A_66 : i32 to index
        %parallel_loop3A_156 = arith.constant 96 : index
        %parallel_loop3A_157 = tpu.vector_load %arg9[%parallel_loop3A_155, %parallel_loop3A_156] {strides = array<i32>} : memref<16x200xf32, #tpu.memory_space<vmem>>, vector<16xf32>,
        tpu.vector_store %arg9[%parallel_loop3A_155, %parallel_loop3A_156], %parallel_loop3A_154 {strides = array<i32>} : memref<16x200xf32, #tpu.memory_space<vmem>>, vector<16xf32>,
        %parallel_loop3A_158 = arith.index_cast %parallel_loop3A_66 : i32 to index
        %parallel_loop3A_159 = arith.constant 112 : index
        %parallel_loop3A_160 = tpu.vector_load %arg7[%parallel_loop3A_158, %parallel_loop3A_159] {strides = array<i32>} : memref<16x200xi32, #tpu.memory_space<vmem>>, vector<16xi32>,
        %parallel_loop3A_161 = arith.constant 0 : i32
        %parallel_loop3A_162 = vector.broadcast %parallel_loop3A_161 : i32 to vector<16xi32>
        %parallel_loop3A_163 = arith.maxsi %parallel_loop3A_160, %parallel_loop3A_162 : vector<16xi32>
        %parallel_loop3A_164 = arith.constant 100000 : i32
        %parallel_loop3A_165 = vector.broadcast %parallel_loop3A_164 : i32 to vector<16xi32>
        %parallel_loop3A_166 = arith.minsi %parallel_loop3A_163, %parallel_loop3A_165 : vector<16xi32>
        %parallel_loop3A_167 = tpu.vector_load_idx %arg5[%parallel_loop3A_166] : memref<106496xf32, #tpu.memory_space<vmem>>[vector<16xi32>], vector<16xf32>,
        %parallel_loop3A_168 = arith.index_cast %parallel_loop3A_66 : i32 to index
        %parallel_loop3A_169 = arith.constant 112 : index
        %parallel_loop3A_170 = tpu.vector_load %arg9[%parallel_loop3A_168, %parallel_loop3A_169] {strides = array<i32>} : memref<16x200xf32, #tpu.memory_space<vmem>>, vector<16xf32>,
        tpu.vector_store %arg9[%parallel_loop3A_168, %parallel_loop3A_169], %parallel_loop3A_167 {strides = array<i32>} : memref<16x200xf32, #tpu.memory_space<vmem>>, vector<16xf32>,
        %parallel_loop3A_171 = arith.index_cast %parallel_loop3A_66 : i32 to index
        %parallel_loop3A_172 = arith.constant 128 : index
        %parallel_loop3A_173 = tpu.vector_load %arg7[%parallel_loop3A_171, %parallel_loop3A_172] {strides = array<i32>} : memref<16x200xi32, #tpu.memory_space<vmem>>, vector<16xi32>,
        %parallel_loop3A_174 = arith.constant 0 : i32
        %parallel_loop3A_175 = vector.broadcast %parallel_loop3A_174 : i32 to vector<16xi32>
        %parallel_loop3A_176 = arith.maxsi %parallel_loop3A_173, %parallel_loop3A_175 : vector<16xi32>
        %parallel_loop3A_177 = arith.constant 100000 : i32
        %parallel_loop3A_178 = vector.broadcast %parallel_loop3A_177 : i32 to vector<16xi32>
        %parallel_loop3A_179 = arith.minsi %parallel_loop3A_176, %parallel_loop3A_178 : vector<16xi32>
        %parallel_loop3A_180 = tpu.vector_load_idx %arg5[%parallel_loop3A_179] : memref<106496xf32, #tpu.memory_space<vmem>>[vector<16xi32>], vector<16xf32>,
        %parallel_loop3A_181 = arith.index_cast %parallel_loop3A_66 : i32 to index
        %parallel_loop3A_182 = arith.constant 128 : index
        %parallel_loop3A_183 = tpu.vector_load %arg9[%parallel_loop3A_181, %parallel_loop3A_182] {strides = array<i32>} : memref<16x200xf32, #tpu.memory_space<vmem>>, vector<16xf32>,
        tpu.vector_store %arg9[%parallel_loop3A_181, %parallel_loop3A_182], %parallel_loop3A_180 {strides = array<i32>} : memref<16x200xf32, #tpu.memory_space<vmem>>, vector<16xf32>,
        %parallel_loop3A_184 = arith.index_cast %parallel_loop3A_66 : i32 to index
        %parallel_loop3A_185 = arith.constant 144 : index
        %parallel_loop3A_186 = tpu.vector_load %arg7[%parallel_loop3A_184, %parallel_loop3A_185] {strides = array<i32>} : memref<16x200xi32, #tpu.memory_space<vmem>>, vector<16xi32>,
        %parallel_loop3A_187 = arith.constant 0 : i32
        %parallel_loop3A_188 = vector.broadcast %parallel_loop3A_187 : i32 to vector<16xi32>
        %parallel_loop3A_189 = arith.maxsi %parallel_loop3A_186, %parallel_loop3A_188 : vector<16xi32>
        %parallel_loop3A_190 = arith.constant 100000 : i32
        %parallel_loop3A_191 = vector.broadcast %parallel_loop3A_190 : i32 to vector<16xi32>
        %parallel_loop3A_192 = arith.minsi %parallel_loop3A_189, %parallel_loop3A_191 : vector<16xi32>
        %parallel_loop3A_193 = tpu.vector_load_idx %arg5[%parallel_loop3A_192] : memref<106496xf32, #tpu.memory_space<vmem>>[vector<16xi32>], vector<16xf32>,
        %parallel_loop3A_194 = arith.index_cast %parallel_loop3A_66 : i32 to index
        %parallel_loop3A_195 = arith.constant 144 : index
        %parallel_loop3A_196 = tpu.vector_load %arg9[%parallel_loop3A_194, %parallel_loop3A_195] {strides = array<i32>} : memref<16x200xf32, #tpu.memory_space<vmem>>, vector<16xf32>,
        tpu.vector_store %arg9[%parallel_loop3A_194, %parallel_loop3A_195], %parallel_loop3A_193 {strides = array<i32>} : memref<16x200xf32, #tpu.memory_space<vmem>>, vector<16xf32>,
        %parallel_loop3A_197 = arith.index_cast %parallel_loop3A_66 : i32 to index
        %parallel_loop3A_198 = arith.constant 160 : index
        %parallel_loop3A_199 = tpu.vector_load %arg7[%parallel_loop3A_197, %parallel_loop3A_198] {strides = array<i32>} : memref<16x200xi32, #tpu.memory_space<vmem>>, vector<16xi32>,
        %parallel_loop3A_200 = arith.constant 0 : i32
        %parallel_loop3A_201 = vector.broadcast %parallel_loop3A_200 : i32 to vector<16xi32>
        %parallel_loop3A_202 = arith.maxsi %parallel_loop3A_199, %parallel_loop3A_201 : vector<16xi32>
        %parallel_loop3A_203 = arith.constant 100000 : i32
        %parallel_loop3A_204 = vector.broadcast %parallel_loop3A_203 : i32 to vector<16xi32>
        %parallel_loop3A_205 = arith.minsi %parallel_loop3A_202, %parallel_loop3A_204 : vector<16xi32>
        %parallel_loop3A_206 = tpu.vector_load_idx %arg5[%parallel_loop3A_205] : memref<106496xf32, #tpu.memory_space<vmem>>[vector<16xi32>], vector<16xf32>,
        %parallel_loop3A_207 = arith.index_cast %parallel_loop3A_66 : i32 to index
        %parallel_loop3A_208 = arith.constant 160 : index
        %parallel_loop3A_209 = tpu.vector_load %arg9[%parallel_loop3A_207, %parallel_loop3A_208] {strides = array<i32>} : memref<16x200xf32, #tpu.memory_space<vmem>>, vector<16xf32>,
        tpu.vector_store %arg9[%parallel_loop3A_207, %parallel_loop3A_208], %parallel_loop3A_206 {strides = array<i32>} : memref<16x200xf32, #tpu.memory_space<vmem>>, vector<16xf32>,
        %parallel_loop3A_210 = arith.index_cast %parallel_loop3A_66 : i32 to index
        %parallel_loop3A_211 = arith.constant 176 : index
        %parallel_loop3A_212 = tpu.vector_load %arg7[%parallel_loop3A_210, %parallel_loop3A_211] {strides = array<i32>} : memref<16x200xi32, #tpu.memory_space<vmem>>, vector<16xi32>,
        %parallel_loop3A_213 = arith.constant 0 : i32
        %parallel_loop3A_214 = vector.broadcast %parallel_loop3A_213 : i32 to vector<16xi32>
        %parallel_loop3A_215 = arith.maxsi %parallel_loop3A_212, %parallel_loop3A_214 : vector<16xi32>
        %parallel_loop3A_216 = arith.constant 100000 : i32
        %parallel_loop3A_217 = vector.broadcast %parallel_loop3A_216 : i32 to vector<16xi32>
        %parallel_loop3A_218 = arith.minsi %parallel_loop3A_215, %parallel_loop3A_217 : vector<16xi32>
        %parallel_loop3A_219 = tpu.vector_load_idx %arg5[%parallel_loop3A_218] : memref<106496xf32, #tpu.memory_space<vmem>>[vector<16xi32>], vector<16xf32>,
        %parallel_loop3A_220 = arith.index_cast %parallel_loop3A_66 : i32 to index
        %parallel_loop3A_221 = arith.constant 176 : index
        %parallel_loop3A_222 = tpu.vector_load %arg9[%parallel_loop3A_220, %parallel_loop3A_221] {strides = array<i32>} : memref<16x200xf32, #tpu.memory_space<vmem>>, vector<16xf32>,
        tpu.vector_store %arg9[%parallel_loop3A_220, %parallel_loop3A_221], %parallel_loop3A_219 {strides = array<i32>} : memref<16x200xf32, #tpu.memory_space<vmem>>, vector<16xf32>,
        %parallel_loop3A_223 = arith.index_cast %parallel_loop3A_66 : i32 to index
        %parallel_loop3A_224 = arith.constant 184 : index
        %parallel_loop3A_225 = tpu.vector_load %arg7[%parallel_loop3A_223, %parallel_loop3A_224] {strides = array<i32>} : memref<16x200xi32, #tpu.memory_space<vmem>>, vector<16xi32>,
        %parallel_loop3A_226 = arith.constant 0 : i32
        %parallel_loop3A_227 = vector.broadcast %parallel_loop3A_226 : i32 to vector<16xi32>
        %parallel_loop3A_228 = arith.maxsi %parallel_loop3A_225, %parallel_loop3A_227 : vector<16xi32>
        %parallel_loop3A_229 = arith.constant 100000 : i32
        %parallel_loop3A_230 = vector.broadcast %parallel_loop3A_229 : i32 to vector<16xi32>
        %parallel_loop3A_231 = arith.minsi %parallel_loop3A_228, %parallel_loop3A_230 : vector<16xi32>
        %parallel_loop3A_232 = tpu.vector_load_idx %arg5[%parallel_loop3A_231] : memref<106496xf32, #tpu.memory_space<vmem>>[vector<16xi32>], vector<16xf32>,
        %parallel_loop3A_233 = arith.index_cast %parallel_loop3A_66 : i32 to index
        %parallel_loop3A_234 = arith.constant 184 : index
        %parallel_loop3A_235 = tpu.vector_load %arg9[%parallel_loop3A_233, %parallel_loop3A_234] {strides = array<i32>} : memref<16x200xf32, #tpu.memory_space<vmem>>, vector<16xf32>,
        tpu.vector_store %arg9[%parallel_loop3A_233, %parallel_loop3A_234], %parallel_loop3A_232 {strides = array<i32>} : memref<16x200xf32, #tpu.memory_space<vmem>>, vector<16xf32>,
      } {sc.loop_unroll_factor = 2 : i64, sc.parallel_access}
      %dma_start3A_62 = arith.constant 0 : i32
      %dma_start3A_63 = tpu.memref_slice %arg4[%add3A_29, %dma_start3A_62] : memref<16384x200xf32, #tpu.memory_space<hbm>> -> memref<16x200xf32, #tpu.memory_space<hbm>>
      %dma_start3A_64 = arith.constant 0 : i32
      %dma_start3A_65 = tpu.memref_slice %arg4[%add3A_29, %dma_start3A_64] : memref<16384x200xf32, #tpu.memory_space<hbm>> -> memref<16x200xf32, #tpu.memory_space<hbm>>
      tpu.enqueue_dma source(%arg9 : memref<16x200xf32, #tpu.memory_space<vmem>>) target(%dma_start3A_65 : memref<16x200xf32, #tpu.memory_space<hbm>>) target_semaphore(%arg14 : memref<!tpu.dma_semaphore, #tpu.memory_space<semaphore_mem>>)
    }
    %scan3A_10 = arith.constant 16 : i32
    %add3A_11 = arith.constant 480 : i32
    %add3A_12 = arith.addi %mul3A_2, %add3A_11 : i32
    %dma_wait3A = arith.constant 0 : i32
    %dma_wait3A_13 = tpu.memref_slice %arg4[%add3A_12, %dma_wait3A] : memref<16384x200xf32, #tpu.memory_space<hbm>> -> memref<16x200xf32, #tpu.memory_space<hbm>>
    %dma_wait3A_14 = arith.constant 0 : i32
    %dma_wait3A_15 = tpu.memref_slice %arg4[%add3A_12, %dma_wait3A_14] : memref<16384x200xf32, #tpu.memory_space<hbm>> -> memref<16x200xf32, #tpu.memory_space<hbm>>
    tpu.wait_dma2 semaphore(%arg13 : memref<!tpu.dma_semaphore, #tpu.memory_space<semaphore_mem>>) src(%arg8 : memref<16x200xf32, #tpu.memory_space<vmem>>) dst(%dma_wait3A_15 : memref<16x200xf32, #tpu.memory_space<hbm>>)
    %add3A_16 = arith.constant 16 : i32
    %add3A_17 = arith.addi %add3A_12, %add3A_16 : i32
    %dma_wait3A_18 = arith.constant 0 : i32
    %dma_wait3A_19 = tpu.memref_slice %arg4[%add3A_17, %dma_wait3A_18] : memref<16384x200xf32, #tpu.memory_space<hbm>> -> memref<16x200xf32, #tpu.memory_space<hbm>>
    %dma_wait3A_20 = arith.constant 0 : i32
    %dma_wait3A_21 = tpu.memref_slice %arg4[%add3A_17, %dma_wait3A_20] : memref<16384x200xf32, #tpu.memory_space<hbm>> -> memref<16x200xf32, #tpu.memory_space<hbm>>
    tpu.wait_dma2 semaphore(%arg14 : memref<!tpu.dma_semaphore, #tpu.memory_space<semaphore_mem>>) src(%arg9 : memref<16x200xf32, #tpu.memory_space<vmem>>) dst(%dma_wait3A_21 : memref<16x200xf32, #tpu.memory_space<hbm>>)
    return
  }
}

module attributes {stable_mosaic.version = 14 : i64} {
  func.func @_mlp_body(%arg0: i32, %arg1: memref<16x8192xf32, #tpu.memory_space<vmem>>, %arg2: memref<8x16xf32, #tpu.memory_space<vmem>>, %arg3: memref<8x128xf32, #tpu.memory_space<vmem>>, %arg4: memref<1x8xf32, #tpu.memory_space<vmem>>, %arg5: memref<1x128xf32, #tpu.memory_space<vmem>>, %arg6: memref<8192xf32, #tpu.memory_space<vmem>>) attributes {dimension_semantics = [#tpu.dimension_semantics<arbitrary>], iteration_bounds = array<i64: 13>, scalar_prefetch = 0 : i64, scratch_operands = 0 : i64, tpu.core_type = #tpu.core_type<tc>, window_params = [{transform_indices = @transform_0, window_bounds = array<i64: 16, 8192>}, {pipeline_mode = #tpu.pipeline_mode<synchronous>, transform_indices = @transform_1, window_bounds = array<i64: 8, 16>}, {pipeline_mode = #tpu.pipeline_mode<synchronous>, transform_indices = @transform_2, window_bounds = array<i64: 8, 128>}, {pipeline_mode = #tpu.pipeline_mode<synchronous>, transform_indices = @transform_3, window_bounds = array<i64: 1, 8>}, {pipeline_mode = #tpu.pipeline_mode<synchronous>, transform_indices = @transform_4, window_bounds = array<i64: 1, 128>}, {transform_indices = @transform_5, window_bounds = array<i64: 8192>}]} {
    %get3A = arith.constant 0 : index
    %get3A_0 = arith.constant 0 : index
    %get3A_1 = vector.load %arg2[%get3A, %get3A_0] : memref<8x16xf32, #tpu.memory_space<vmem>>, vector<8x16xf32>
    %get3A_2 = arith.constant 0 : index
    %get3A_3 = arith.constant 0 : index
    %get3A_4 = vector.load %arg1[%get3A_2, %get3A_3] : memref<16x8192xf32, #tpu.memory_space<vmem>>, vector<16x8192xf32>
    %dot_general3A = arith.constant dense<0.000000e+00> : vector<8x8192xf32>
    %dot_general3A_5 = tpu.matmul %get3A_1, %get3A_4, %dot_general3A {dimension_numbers = #tpu.dot_dimension_numbers<[1], [0], [0], [1], [0, 0, 1, 1], [], []>, transpose_lhs_hint = false} : vector<8x16xf32>, vector<16x8192xf32>, vector<8x8192xf32> -> vector<8x8192xf32>
    %get3A_6 = arith.constant 0 : index
    %get3A_7 = arith.constant 0 : index
    %get3A_8 = vector.load %arg3[%get3A_6, %get3A_7] : memref<8x128xf32, #tpu.memory_space<vmem>>, vector<8x128xf32>
    %slice3A = vector.extract_strided_slice %get3A_8 {offsets = [0, 0], sizes = [8, 1], strides = [1, 1]} : vector<8x128xf32> to vector<8x1xf32>
    %add3A = vector.broadcast %slice3A : vector<8x1xf32> to vector<8x8192xf32>
    %add3A_9 = arith.addf %dot_general3A_5, %add3A : vector<8x8192xf32>
    %max3A = arith.constant 0.000000e+00 : f32
    %max3A_10 = vector.broadcast %max3A : f32 to vector<8x8192xf32>
    %max3A_11 = arith.maximumf %add3A_9, %max3A_10 : vector<8x8192xf32>
    %get3A_12 = arith.constant 0 : index
    %get3A_13 = arith.constant 0 : index
    %get3A_14 = vector.load %arg4[%get3A_12, %get3A_13] : memref<1x8xf32, #tpu.memory_space<vmem>>, vector<1x8xf32>
    %dot_general3A_15 = arith.constant dense<0.000000e+00> : vector<1x8192xf32>
    %dot_general3A_16 = tpu.matmul %get3A_14, %max3A_11, %dot_general3A_15 {dimension_numbers = #tpu.dot_dimension_numbers<[1], [0], [0], [1], [0, 0, 1, 1], [], []>, transpose_lhs_hint = false} : vector<1x8xf32>, vector<8x8192xf32>, vector<1x8192xf32> -> vector<1x8192xf32>
    %get3A_17 = arith.constant 0 : index
    %get3A_18 = arith.constant 0 : index
    %get3A_19 = vector.load %arg5[%get3A_17, %get3A_18] : memref<1x128xf32, #tpu.memory_space<vmem>>, vector<1x128xf32>
    %slice3A_20 = vector.extract_strided_slice %get3A_19 {offsets = [0, 0], sizes = [1, 1], strides = [1, 1]} : vector<1x128xf32> to vector<1x1xf32>
    %add3A_21 = vector.broadcast %slice3A_20 : vector<1x1xf32> to vector<1x8192xf32>
    %add3A_22 = arith.addf %dot_general3A_16, %add3A_21 : vector<1x8192xf32>
    %logistic3A = arith.negf %add3A_22 : vector<1x8192xf32>
    %logistic3A_23 = math.exp %logistic3A : vector<1x8192xf32>
    %logistic3A_24 = arith.constant 1.000000e+00 : f32
    %logistic3A_25 = vector.broadcast %logistic3A_24 : f32 to vector<1x8192xf32>
    %logistic3A_26 = arith.addf %logistic3A_25, %logistic3A_23 : vector<1x8192xf32>
    %logistic3A_27 = arith.divf %logistic3A_25, %logistic3A_26 : vector<1x8192xf32>
    %squeeze3A = vector.shape_cast %logistic3A_27 : vector<1x8192xf32> to vector<8192xf32>
    %swap3A = arith.constant 0 : index
    %swap3A_28 = vector.load %arg6[%swap3A] : memref<8192xf32, #tpu.memory_space<vmem>>, vector<8192xf32>
    tpu.vector_store %arg6[%swap3A], %squeeze3A {strides = array<i32>} : memref<8192xf32, #tpu.memory_space<vmem>>, vector<8192xf32>,
    return
  }
  func.func @transform_0(%arg0: i32) -> (i32, i32) {
    %c0_i32 = arith.constant 0 : i32
    %c0_i32_0 = arith.constant 0 : i32
    return %c0_i32, %arg0 : i32, i32
  }
  func.func @transform_1(%arg0: i32) -> (i32, i32) {
    %c0_i32 = arith.constant 0 : i32
    %c0_i32_0 = arith.constant 0 : i32
    %c0_i32_1 = arith.constant 0 : i32
    return %c0_i32, %c0_i32_0 : i32, i32
  }
  func.func @transform_2(%arg0: i32) -> (i32, i32) {
    %c0_i32 = arith.constant 0 : i32
    %c0_i32_0 = arith.constant 0 : i32
    %c0_i32_1 = arith.constant 0 : i32
    return %c0_i32, %c0_i32_0 : i32, i32
  }
  func.func @transform_3(%arg0: i32) -> (i32, i32) {
    %c0_i32 = arith.constant 0 : i32
    %c0_i32_0 = arith.constant 0 : i32
    %c0_i32_1 = arith.constant 0 : i32
    return %c0_i32, %c0_i32_0 : i32, i32
  }
  func.func @transform_4(%arg0: i32) -> (i32, i32) {
    %c0_i32 = arith.constant 0 : i32
    %c0_i32_0 = arith.constant 0 : i32
    %c0_i32_1 = arith.constant 0 : i32
    return %c0_i32, %c0_i32_0 : i32, i32
  }
  func.func @transform_5(%arg0: i32) -> i32 {
    %c0_i32 = arith.constant 0 : i32
    return %arg0 : i32
  }
}

</mosaic_0001>

<sc_bundles>
// kernel: kernel.4.cloned.1.call-start
scs
__scs_entry_jumppad:
0x0: {  	(pc) =	sbr.rel $0x88, $3  }
0x1: {  	(tag) =	ssettag $0x0;
	lr =	simm.s32 $0x1  }
0x2: {  	[smem:$0x3F9B] =	sst lr;
	_ =	strace $0xD0000000  }
0x3: {  	_ = 	snop  }
0x4: {  	_ = 	snop  }
0x5: {  	_ = 	snop  }
0x6: {  	_ = 	snop  }
0x7: {  	_ = 	snop  }
__scs_overlays_trampoline_lowered:
0x8: {  	[smem:$0x3FAA] =	sst s0  }
0x9: {  	[smem:$0x3FAB] =	sst s1  }
0xa: {  	[smem:$0x3FAC] =	sst s2  }
0xb: {  	[smem:$0x3FAD] =	sst s3  }
0xc: {  	[smem:$0x3FAE] =	sst s4  }
0xd: {  	[smem:$0x3FAF] =	sst s5  }
0xe: {  	[smem:$0x3FB0] =	sst s6  }
0xf: {  	[smem:$0x3FB1] =	sst s7  }
0x10: {  	[smem:$0x3FB2] =	sst s8  }
0x11: {  	[smem:$0x3FB3] =	sst s9;
	s0 =	simm.s32 @!p0 $0x0  }
0x12: {  	s1 =	sld [smem:$0x3F99];
	s0 =	simm.s32 @p0 $0x1  }
0x13: {  	[smem:$0x3FB4] =	sst s0;
	s0 =	simm.s32 @!p1 $0x0  }
0x14: {  	s2 =	sld [smem:$0x3F98];
	s0 =	simm.s32 @p1 $0x1  }
0x15: {  	[smem:$0x3FB5] =	sst s0;
	s0 =	simm.s32 @!p2 $0x0  }
0x16: {  	s3 =	sld [smem:$0x3FDB];
	s0 =	simm.s32 @p2 $0x1  }
0x17: {  	s4 =	simm.s32 $0x1BF5;
	[smem:$0x3FB7] =	sst s0  }
0x18: {  	s0 =	sld [smem:$0x3F9A];
	_ =	swait.ge [sflag:s4], $0x0  }
0x19: {  	s7 =	sld [smem:$0x3F9B]  }
0x1a: {  	s8 =	sadd.s32 $0xFFFFE003, lr  }
0x1b: {  	s9 =	sadd.s32 $0xFFFFFEF7, lr;
	s5 =	simm.s32 $0xFFFFFFFF;
	p2 =	slt.u32 s8, $0xFFFFF086  }
0x1c: {  	p1 =	slt.u32 s9, $0xF7A;
	s5 =	simm.s32 @!p2 $0x0  }
0x1d: {  	s5 =	simm.s32 @p1 $0x1;
	p0 =	seq.s32 s7, s2  }
0x1e: {  	s7 =	smul.u32 @!p0 $0xF7A, s2;
	p2 =	seq.s32 @!p0 s5, $0x0  }
0x1f: {  	s9 =	smul.u32 $0xF7A, s1;
	s8 =	simm.s32 @!p0 $0x1BF5;
	p2 =	por !p2, p0  }
0x20: {  	[sflag:s8] =	ssyncset.s32 @!p0 $0xFFFFF086;
	s6 =	sadd.s32 @!p0 s3, s7;
	s7 =	simm.s32 @!p0 $0x108  }
0x21: {  	s3 =	sadd.s32 s3, s9;
	s6 =	sadd.s32 @!p0 $0x88, s6;
	s7 =	simm.s32 @p2 $0x1082  }
0x22: {  	[simem:s7], [sflag:s8] =	dma.local @!p0 [hbm:s6], $0xF7A  }
0x23: {  	s9 =	sor.u32 $0xD0000000, s2;
	s6 =	simm.s32 $0x108;
	_ =	swait.ge @!p0 [sflag:s8], $0x0  }
0x24: {  	s3 =	sadd.s32 $0x88, s3;
	s6 =	simm.s32 @!p1 $0x1082;
	[sflag:s4] =	ssyncset.s32 $0xFFFFF086  }
0x25: {  	[simem:s6], [sflag:s4] =	dma.local [hbm:s3], $0xF7A  }
0x26: {  	[smem:$0x3F9B] =	sst s1;
	(tag) =	ssettag s2;
	_ =	strace s9  }
0x27: {  	s1 =	sld [smem:$0x3FAB]  }
0x28: {  	s2 =	sld [smem:$0x3FAC]  }
0x29: {  	s4 =	sld [smem:$0x3FAE]  }
0x2a: {  	p0 =	seq.s32 s5, $0x0;
	s5 =	sld [smem:$0x3FAF]  }
0x2b: {  	s6 =	sld [smem:$0x3FB0]  }
0x2c: {  	s7 =	sld [smem:$0x3FB1]  }
0x2d: {  	s3 =	simm.s32 $0x108;
	s8 =	sld [smem:$0x3FB2]  }
0x2e: {  	s3 =	simm.s32 @!p0 $0x1082;
	s9 =	sld [smem:$0x3FB3]  }
0x2f: {  	lr =	sadd.s32 s0, s3;
	s0 =	sld [smem:$0x3FAA]  }
0x30: {  	s3 =	sld [smem:$0x3FAD]  }
0x31: {  	[smem:$0x3FB6] =	sst s10  }
0x32: {  	s10 =	sld [smem:$0x3FB4];
	_ =	sdelay $0x3  }
0x33: {  	p0 =	seq.s32 s10, $0x1;
	s10 =	sld [smem:$0x3FB6];
	_ =	sdelay $0x3  }
0x34: {  	[smem:$0x3FB6] =	sst s10  }
0x35: {  	s10 =	sld [smem:$0x3FB5];
	_ =	sdelay $0x3  }
0x36: {  	p1 =	seq.s32 s10, $0x1;
	s10 =	sld [smem:$0x3FB6];
	_ =	sdelay $0x3  }
0x37: {  	[smem:$0x3FB6] =	sst s10  }
0x38: {  	s10 =	sld [smem:$0x3FB7]  }
0x39: {  	_ = 	snop;
	(pc) =	sbr.ind lr, $3  }
0x3a: {  	_ = 	snop  }
0x3b: {  	_ = 	snop  }
0x3c: {  	p2 =	seq.s32 s10, $0x1;
	s10 =	sld [smem:$0x3FB6]  }
0x3d: {  	_ =	shalt  }
0x3e: {  	_ =	shalt  }
0x3f: {  	_ =	shalt  }
0x40: {  	_ =	shalt  }
0x41: {  	_ =	shalt  }
0x42: {  	_ =	shalt  }
0x43: {  	_ =	shalt  }
0x44: {  	_ =	shalt  }
0x45: {  	_ =	shalt  }
0x46: {  	_ =	shalt  }
0x47: {  	_ =	shalt  }
0x48: {  	_ =	shalt  }
0x49: {  	_ =	shalt  }
0x4a: {  	_ =	shalt  }
0x4b: {  	_ =	shalt  }
0x4c: {  	_ =	shalt  }
0x4d: {  	_ =	shalt  }
0x4e: {  	_ =	shalt  }
0x4f: {  	_ =	shalt  }
0x50: {  	_ =	shalt  }
0x51: {  	_ =	shalt  }
0x52: {  	_ =	shalt  }
0x53: {  	_ =	shalt  }
0x54: {  	_ =	shalt  }
0x55: {  	_ =	shalt  }
0x56: {  	_ =	shalt  }
0x57: {  	_ =	shalt  }
0x58: {  	_ =	shalt  }
0x59: {  	_ =	shalt  }
0x5a: {  	_ =	shalt  }
0x5b: {  	_ =	shalt  }
0x5c: {  	_ =	shalt  }
0x5d: {  	_ =	shalt  }
0x5e: {  	_ =	shalt  }
0x5f: {  	_ =	shalt  }
0x60: {  	_ =	shalt  }
0x61: {  	_ =	shalt  }
0x62: {  	_ =	shalt  }
0x63: {  	_ =	shalt  }
0x64: {  	_ =	shalt  }
0x65: {  	_ =	shalt  }
0x66: {  	_ =	shalt  }
0x67: {  	_ =	shalt  }
0x68: {  	_ =	shalt  }
0x69: {  	_ =	shalt  }
0x6a: {  	_ =	shalt  }
0x6b: {  	_ =	shalt  }
0x6c: {  	_ =	shalt  }
0x6d: {  	_ =	shalt  }
0x6e: {  	_ =	shalt  }
0x6f: {  	_ =	shalt  }
0x70: {  	_ =	shalt  }
0x71: {  	_ =	shalt  }
0x72: {  	_ =	shalt  }
0x73: {  	_ =	shalt  }
0x74: {  	_ =	shalt  }
0x75: {  	_ =	shalt  }
0x76: {  	_ =	shalt  }
0x77: {  	_ =	shalt  }
0x78: {  	_ =	shalt  }
0x79: {  	_ =	shalt  }
0x7a: {  	_ =	shalt  }
0x7b: {  	_ =	shalt  }
0x7c: {  	_ =	shalt  }
0x7d: {  	_ =	shalt  }
0x7e: {  	_ =	shalt  }
0x7f: {  	_ =	shalt  }
0x80: {  	_ =	shalt  }
0x81: {  	_ =	shalt  }
0x82: {  	_ =	shalt  }
0x83: {  	_ =	shalt  }
0x84: {  	_ =	shalt  }
0x85: {  	_ =	shalt  }
0x86: {  	_ =	shalt  }
0x87: {  	_ =	shalt  }
.Lfunc_end0:
.L_simem_size_0:
called_computation_lowered:
.L_overlay_start_0:
0x88: {  	s2 =	sld [smem:$0x3FD9]  }
0x89: {  	s3 =	sld [smem:$0x3FFE];
	_ =	sdelay $0x1  }
0x8a: {  	s1 =	srdreg.scid  }
0x8b: {  	s0 =	sand.u32 $0x1, s1  }
0x8c: {  	s17 =	sshll.u32 s0, $0xA;
	s2 =	sadd.s32 s3, s2  }
0x8d: {  	s2 =	sadd.s32 s2, s17  }
0x8e: {  	[smem:$0x3FC2] =	sst s2  }
0x8f: {  	_ = 	snop  }
0x90: {  	s2 =	sld [smem:$0x3FD0];
	(tm) =	ssettm $0x1  }
0x91: {  	s18 =	sld [smem:$0x3FFB];
	_ =	sdelay $0x3  }
0x92: {  	_ =	strace s18  }
0x93: {  	s3 =	sld [smem:$0x3FFC];
	_ =	sdelay $0x3  }
0x94: {  	_ =	strace s3  }
0x95: {  	s3 =	sld [smem:$0x3FFD];
	_ =	sdelay $0x3  }
0x96: {  	_ =	strace s3  }
0x97: {  	_ =	strace $0x8FFFFFFF  }
0x98: {  	s19 =	sld [smem:$0x3FDB];
	_ =	sdelay $0x1  }
0x99: {  	s4 =	simm.s32 $_scs_section_size  }
0x9a: {  	s5 =	simm.s32 $_size__tile_overlayer_lowered;
	s6 =	simm.s32 $_tile_overlayer_lowered  }
0x9b: {  	s22 =	simm.s32 $0x1BFF;
	s21 =	sshll.u32 s6, $0x1;
	s3 =	sadd.s32 s4, s19  }
0x9c: {  	s7 =	simm.s32 $0x0;
	s20 =	sshll.u32 s5, $0x1;
	s5 =	sadd.s32 s21, s3  }
0x9d: {  	[timem:s7], [sflag:s22] =	dma.local [hbm:s5], s20  }
0x9e: {  	_ =	swait.ge [sflag:s22], s20  }
0x9f: {  	s4 =	ssub.s32 $0x0, s20;
	[sflag:s22] =	ssyncset.done $0x0  }
0xa0: {  	[sflag:s22] =	ssyncadd.s32 s4;
	_ =	sdelay $0x1  }
0xa1: {  	s23 =	simm.s32 $0x1B8B  }
0xa2: {  	_ =	swait.ge [sflag:s23], $0x1  }
0xa3: {  	[sflag:s23] =	ssyncset.done $0x0  }
0xa4: {  	s25 =	simm.s32 $0x1B8E;
	s24 =	sld [smem:$0x3FFE];
	[sflag:s23] =	ssyncadd.s32 $0xFFFFFFFF  }
0xa5: {  	s26 =	simm.s32 $execute0_lowered;
	[smem:$0x3FD2] =	sst s25  }
0xa6: {  	s5 =	sshll.u32 s26, $0x1;
	_ =	strace $0x80000046;
	[dreg:$0x1] =	wrdreg $0xFFFFFFFF  }
0xa7: {  	s28 =	simm.s32 $_size_execute0_lowered;
	s3 =	sadd.s32 s3, s5;
	[dreg:$0x0] =	wrdreg $0x0  }
0xa8: {  	s5 =	sshll.u32 s28, $0x1;
	[dreg:$0x2] =	wrdreg s3  }
0xa9: {  	[dreg:$0x3] =	wrdreg s5  }
0xaa: {  	[dreg:$0x4] =	wrdreg $0xC0  }
0xab: {  	_ =	task [dreg:s7], $0x5FFFF  }
0xac: {  	[dreg:$0x1] =	wrdreg $0xFFFFFFFF  }
0xad: {  	[dreg:$0x0] =	wrdreg $0x60  }
0xae: {  	[dreg:$0x2] =	wrdreg s2  }
0xaf: {  	[dreg:$0x3] =	wrdreg s24  }
0xb0: {  	[dreg:$0x4] =	wrdreg $0x9  }
0xb1: {  	_ =	task.clear_ibuf [dreg:s7], $0x5FFFF;
	_ =	strace $0x90000046  }
0xb2: {  	s29 =	simm.s32 $0x9;
	_ =	strace $0x80000048  }
0xb3: {  	_ =	swait.ge [sflag:s29], $0x1  }
0xb4: {  	[sflag:s29] =	ssyncadd.s32 $0xFFFFFFFF  }
0xb5: {  	_ =	strace $0x90000048  }
0xb6: {  	_ =	sfence  }
0xb7: {  	s30 =	sld [smem:$0x0];
	_ =	sdelay $0x2  }
0xb8: {  	s31 =	sshll.u32 s1, $0xD;
	s1 =	sshrl.u32 s1, $0x2  }
0xb9: {  	s3 =	sand.u32 $0x4000, s31;
	s1 =	sadd.s32 s1, s30  }
0xba: {  	s0 =	sor.u32 s3, s0;
	s1 =	sshll.u32 s1, $0x11  }
0xbb: {  	s0 =	sor.u32 s1, s0  }
0xbc: {  	s0 =	sadd.s32 $0x8F2B, s0  }
0xbd: {  	[sflag:s0] =	ssyncadd.remote.s32 $0x1  }
0xbe: {  	_ =	sfence.sel $0xFFFF  }
0xbf: {  	[dreg:$0x0] =	wrdreg $0xFFFFFFFF;
	(pc) =	sbr.abs _section_cstart, $3  }
0xc0: {  	[dreg:$0x1] =	wrdreg $0xFFFFFFFF  }
0xc1: {  	_ =	task.clear_ibuf [dreg:s7], $0x2FFFF;
	_ =	strace $0x9FFFFFFF  }
0xc2: {  	(tm) =	ssettm $0x7FFFFFFF  }
0xc3: {  	_ =	shalt  }
tec
execute0_lowered:
.L_overlay_start_1:
0x0: {  	(tag) =	ssettag $0x1  }
0x1: {  	s1 =	rddreg [dreg:$0x0]  }
0x2: {  	s8 =	rddreg [dreg:$0x1]  }
0x3: {  	s3 =	simm.s32 $0x0;
	s4 =	srdreg.scid;
	s2 =	stileid.u32  }
0x4: {  	s10 =	simm.s32 $0x1A000;
	s11 =	simm.s32 $0x1;
	s12 =	simm.s32 $0x1B000  }
0x5: {  	s13 =	simm.s32 $0x2;
	s14 =	simm.s32 $0x1C000;
	s15 =	simm.s32 $0x3  }
0x6: {  	s16 =	simm.s32 $0x5;
	s17 =	simm.s32 $0x1D000;
	s18 =	simm.s32 $0x4  }
0x7: {  	s19 =	simm.s32 $0x0;
	[smem:$0x7FF] =	sst s3;
	s4 =	sand.u32 $0x1, s4  }
0x8: {  	s5 =	sshll.u32 s2, $0xF;
	_ =	strace $0x80000047;
	s7 =	ssub.s32 $0x2, s4  }
0x9: {  	s6 =	sshll.u32 s4, $0xE;
	s4 =	sadd.s32 $0xE00, s8;
	s9 =	sshrl.u32 s7, $0x1  }
0xa: {  	s5 =	sor.u32 s6, s5;
	s6 =	sadd.s32 $0x80E00, s8;
	s9 =	ssub.s32 s7, s9  }
0xb: {  	s8 =	sadd.s32 $0x1200, s8;
	s7 =	sadd.s32 s4, s5;
	s9 =	smax.u32 s9, $0x1  }
.LBB2_1:
0xc: {  	[tilespmem:s3], [sflag:$0x1] =	stream.linear.gather [hbm4b:s1+s3], $0x1A000, $0x38;
	[tilespmem:$0x1E000] =	vst v63  }
0xd: {  	_ = 	snop  }
0xe: {  	[tilespmem:s10], [sflag:$0x2] =	stream.linear.gather [hbm4b:s7+s3], $0x1000, $0x38;
	[tilespmem:$0x1E000] =	vst v63  }
0xf: {  	_ =	swait.ge [sflag:s11], $0x1A000  }
0x10: {  	[sflag:s11] =	ssyncset.done $0x0  }
0x11: {  	s20 =	simm.s32 $0x0;
	[sflag:s11] =	ssyncadd.s32 $0xFFFE6000  }
.LBB2_2:
0x12: {  	s21 =	sshll.u32 s20, $0xA  }
0x13: {  	s22 =	sadd.s32 s5, s21  }
0x14: {  	s21 =	sor.u32 $0x200, s22  }
0x15: {  	s23 =	sadd.s32 s4, s21  }
0x16: {  	[tilespmem:s12], [sflag:$0x3] =	stream.linear.gather [hbm4b:s23+s3], $0x1000, $0x38;
	[tilespmem:$0x1E000] =	vst v63  }
0x17: {  	_ =	swait.ge [sflag:s13], $0x1000  }
0x18: {  	p0 =	seq.s32 s20, $0x0;
	[sflag:s13] =	ssyncset.done $0x0  }
0x19: {  	s23 =	simm.s32 @!p0 $0x4;
	[sflag:s13] =	ssyncadd.s32 $0xFFFFF000  }
0x1a: {  	s24 =	simm.s32 $0x0;
	_ =	swait.ge @!p0 [sflag:s23], $0x1000  }
0x1b: {  	s25 =	sand.u32 $0x800, s24;
	s24 =	sand.u32 $0x300, s24;
	[sflag:s23] =	ssyncset.done @!p0 $0x0  }
0x1c: {  	[sflag:s23] =	ssyncadd.s32 @!p0 $0xFFFFF000;
	s23 =	sor.u32 s24, s25  }
0x1d: {  	v0 =	vld [tilespmem:s23+$0x1A080];
	_ =	sdelay $0x3  }
0x1e: {  	v1 =	vld [tilespmem:s23+$0x1A000]  }
0x1f: {  	vm0 =	vgt.s32 v0, $0x0  }
0x20: {  	v2 =	vld [tilespmem:s23+$0x1A090];
	v0 =	vnsel vm0, $0x0, v0  }
0x21: {  	v3 =	vld [tilespmem:s23+$0x1A010];
	v0 =	vmin.u32 v0, $0x186A0  }
0x22: {  	v4 =	vld [tilespmem:s23+$0x1A0A0]  }
0x23: {  	v5 =	vld [tilespmem:s23+$0x1A020];
	vm5 =	vgt.s32 v1, $0x0  }
0x24: {  	v6 =	vld [tilespmem:s23+$0x1A030];
	v1 =	vnsel vm5, $0x0, v1  }
0x25: {  	v7 =	vld [tilespmem:s23+$0x1A040];
	vm6 =	vgt.s32 v2, $0x0;
	v1 =	vmin.u32 v1, $0x186A0  }
0x26: {  	v2 =	vnsel vm6, $0x0, v2;
	v0 =	vld.idx.msk [tilespmem:v0+s3+$0x0], $0xffff  }
0x27: {  	v8 =	vld [tilespmem:s23+$0x1A050];
	v2 =	vmin.u32 v2, $0x186A0  }
0x28: {  	v9 =	vld [tilespmem:s23+$0x1A060]  }
0x29: {  	v10 =	vld [tilespmem:s23+$0x1A070];
	vm7 =	vgt.s32 v3, $0x0  }
0x2a: {  	vm8 =	vgt.s32 v4, $0x0;
	v3 =	vnsel vm7, $0x0, v3;
	v1 =	vld.idx.msk [tilespmem:v1+s3+$0x0], $0xffff  }
0x2b: {  	[tilespmem:s23+$0x1C080] =	vst v0;
	v0 =	vmin.u32 v3, $0x186A0;
	v3 =	vnsel vm8, $0x0, v4;
	v4 =	vld [tilespmem:s23+$0x1A0B0]  }
0x2c: {  	v2 =	vld.idx.msk [tilespmem:v2+s3+$0x0], $0xffff  }
0x2d: {  	v11 =	vld [tilespmem:s23+$0x1A0D0];
	v3 =	vmin.u32 v3, $0x186A0  }
0x2e: {  	v13 =	vld [tilespmem:s23+$0x1A480]  }
0x2f: {  	v18 =	vld [tilespmem:s23+$0x1A490];
	vm9 =	vgt.s32 v5, $0x0;
	[tilespmem:s23+$0x1C000] =	vst v1  }
0x30: {  	s26 =	simm.s32 $0x100;
	s31 =	simm.s32 $0x200;
	v1 =	vnsel vm9, $0x0, v5;
	v0 =	vld.idx.msk [tilespmem:v0+s3+$0x0], $0xffff  }
0x31: {  	s25 =	sand.u32 $0x800, s31;
	s24 =	sand.u32 $0x300, s26;
	v5 =	vld [tilespmem:s23+$0x1A0C0];
	v1 =	vmin.u32 v1, $0x186A0;
	vm10 =	vgt.s32 v4, $0x0;
	[tilespmem:s23+$0x1C090] =	vst v2  }
0x32: {  	s24 =	sor.u32 s24, s25;
	v2 =	vld.idx.msk [tilespmem:v3+s3+$0x0], $0xffff;
	v3 =	vnsel vm10, $0x0, v4  }
0x33: {  	v12 =	vld [tilespmem:s24+$0x1A000];
	v3 =	vmin.u32 v3, $0x186A0  }
0x34: {  	v14 =	vld [tilespmem:s24+$0x1A020]  }
0x35: {  	v15 =	vld [tilespmem:s24+$0x1A030];
	vm11 =	vgt.s32 v6, $0x0;
	[tilespmem:s23+$0x1C010] =	vst v0  }
0x36: {  	v0 =	vnsel vm11, $0x0, v6;
	v1 =	vld.idx.msk [tilespmem:v1+s3+$0x0], $0xffff  }
0x37: {  	v16 =	vld [tilespmem:s24+$0x1A090];
	vm12 =	vgt.s32 v5, $0x0;
	v0 =	vmin.u32 v0, $0x186A0;
	[tilespmem:s23+$0x1C0A0] =	vst v2  }
0x38: {  	v2 =	vnsel vm12, $0x0, v5;
	v6 =	vld.idx.msk [tilespmem:v3+s3+$0x0], $0xffff  }
0x39: {  	v17 =	vld [tilespmem:s24+$0x1A040];
	v5 =	vmin.u32 v2, $0x186A0  }
0x3a: {  	v20 =	vld [tilespmem:s24+$0x1A0A0]  }
0x3b: {  	v22 =	vld [tilespmem:s24+$0x1A490];
	vm13 =	vgt.s32 v7, $0x0;
	[tilespmem:s23+$0x1C020] =	vst v1  }
0x3c: {  	v1 =	vnsel vm13, $0x0, v7;
	v0 =	vld.idx.msk [tilespmem:v0+s3+$0x0], $0xffff  }
0x3d: {  	s0 =	simm.s32 $0x200;
	s26 =	simm.s32 $0x400;
	v36 =	vld [tilespmem:s24+$0x1A4A0];
	vm14 =	vgt.s32 v11, $0x0;
	v7 =	vmin.u32 v1, $0x186A0;
	[tilespmem:s23+$0x1C0B0] =	vst v6  }
0x3e: {  	s26 =	sand.u32 $0x800, s26;
	s25 =	sand.u32 $0x300, s0;
	v6 =	vnsel vm14, $0x0, v11;
	v5 =	vld.idx.msk [tilespmem:v5+s3+$0x0], $0xffff  }
0x3f: {  	s25 =	sor.u32 s25, s26;
	v11 =	vld [tilespmem:s23+$0x1A0E0];
	v6 =	vmin.u32 v6, $0x186A0  }
0x40: {  	v34 =	vld [tilespmem:s25+$0x1A090]  }
0x41: {  	v35 =	vld [tilespmem:s25+$0x1A040];
	[tilespmem:s23+$0x1C030] =	vst v0  }
0x42: {  	v7 =	vld.idx.msk [tilespmem:v7+s3+$0x0], $0xffff  }
0x43: {  	v23 =	vld [tilespmem:s25+$0x1A0A0];
	[tilespmem:s23+$0x1C0C0] =	vst v5  }
0x44: {  	vm4 =	vgt.s32 v11, $0x0;
	v5 =	vld.idx.msk [tilespmem:v6+s3+$0x0], $0xffff  }
0x45: {  	v6 =	vnsel vm4, $0x0, v11;
	v11 =	vld [tilespmem:s23+$0x1A0F0]  }
0x46: {  	v38 =	vld [tilespmem:s25+$0x1A0B0];
	v6 =	vmin.u32 v6, $0x186A0  }
0x47: {  	[tilespmem:s23+$0x1C040] =	vst v7;
	v7 =	vld [tilespmem:s24+$0x1A080]  }
0x48: {  	v41 =	vld [tilespmem:s25+$0x1A0C0]  }
0x49: {  	v44 =	vld [tilespmem:s25+$0x1A0D0]  }
0x4a: {  	v45 =	vld [tilespmem:s25+$0x1A0E0];
	[tilespmem:s23+$0x1C0D0] =	vst v5;
	vm5 =	vgt.s32 v11, $0x0  }
0x4b: {  	v5 =	vld.idx.msk [tilespmem:v6+s3+$0x0], $0xffff;
	v11 =	vnsel vm5, $0x0, v11  }
0x4c: {  	v46 =	vld [tilespmem:s25+$0x1A480];
	v11 =	vmin.u32 v11, $0x186A0;
	vm6 =	vgt.s32 v7, $0x0  }
0x4d: {  	s28 =	simm.s32 $0x600;
	s31 =	simm.s32 $0x300;
	v25 =	vld [tilespmem:s25+$0x1A490];
	vm1 =	vgt.s32 v12, $0x0;
	v7 =	vnsel vm6, $0x0, v7  }
0x4e: {  	s28 =	sand.u32 $0x800, s28;
	s26 =	sand.u32 $0x300, s31;
	v12 =	vnsel vm1, $0x0, v12;
	v6 =	vld [tilespmem:s24+$0x1A010];
	v7 =	vmin.u32 v7, $0x186A0  }
0x4f: {  	s26 =	sor.u32 s26, s28;
	v53 =	vld [tilespmem:s25+$0x1A4A0];
	vm15 =	vgt.s32 v8, $0x0;
	v12 =	vmin.u32 v12, $0x186A0  }
0x50: {  	v47 =	vld [tilespmem:s26+$0x1A020];
	vm7 =	vgt.s32 v13, $0x0;
	v0 =	vnsel vm15, $0x0, v8;
	[tilespmem:s23+$0x1C0E0] =	vst v5  }
0x51: {  	v13 =	vnsel vm7, $0x0, v13;
	v8 =	vmin.u32 v0, $0x186A0;
	v5 =	vld.idx.msk [tilespmem:v11+s3+$0x0], $0xffff  }
0x52: {  	v48 =	vld [tilespmem:s26+$0x1A030];
	v13 =	vmin.u32 v13, $0x186A0;
	vm8 =	vgt.s32 v16, $0x0  }
0x53: {  	vm9 =	vgt.s32 v6, $0x0;
	v19 =	vld.idx.msk [tilespmem:v7+s3+$0x0], $0xffff;
	v7 =	vnsel vm8, $0x0, v16  }
0x54: {  	v12 =	vld.idx.msk [tilespmem:v12+s3+$0x0], $0xffff;
	v6 =	vnsel vm9, $0x0, v6;
	v16 =	vmin.u32 v7, $0x186A0  }
0x55: {  	v49 =	vld [tilespmem:s26+$0x1A090];
	v21 =	vmin.u32 v6, $0x186A0  }
0x56: {  	vm10 =	vgt.s32 v9, $0x0;
	v8 =	vld.idx.msk [tilespmem:v8+s3+$0x0], $0xffff;
	[tilespmem:s23+$0x1C0F0] =	vst v5  }
0x57: {  	vm11 =	vgt.s32 v18, $0x0;
	v5 =	vnsel vm10, $0x0, v9;
	v9 =	vld.idx.msk [tilespmem:v13+s3+$0x0], $0xffff  }
0x58: {  	v5 =	vmin.u32 v5, $0x186A0;
	v13 =	vnsel vm11, $0x0, v18;
	v18 =	vld [tilespmem:s23+$0x1A4A0];
	[tilespmem:s24+$0x1C080] =	vst v19  }
0x59: {  	[tilespmem:s24+$0x1C000] =	vst v12;
	vm12 =	vgt.s32 v20, $0x0;
	v13 =	vmin.u32 v13, $0x186A0;
	v12 =	vld.idx.msk [tilespmem:v16+s3+$0x0], $0xffff  }
0x5a: {  	vm13 =	vgt.s32 v14, $0x0;
	v19 =	vnsel vm12, $0x0, v20;
	v16 =	vld.idx.msk [tilespmem:v21+s3+$0x0], $0xffff  }
0x5b: {  	[tilespmem:s23+$0x1C050] =	vst v8;
	v8 =	vnsel vm13, $0x0, v14;
	v14 =	vmin.u32 v19, $0x186A0;
	v19 =	vld [tilespmem:s24+$0x1A0B0]  }
0x5c: {  	v4 =	vld [tilespmem:s23+$0x1A400];
	v8 =	vmin.u32 v8, $0x186A0  }
0x5d: {  	vm14 =	vgt.s32 v10, $0x0;
	v5 =	vld.idx.msk [tilespmem:v5+s3+$0x0], $0xffff;
	[tilespmem:s23+$0x1C480] =	vst v9;
	vm15 =	vgt.s32 v18, $0x0  }
0x5e: {  	v9 =	vnsel vm14, $0x0, v10;
	v10 =	vld.idx.msk [tilespmem:v13+s3+$0x0], $0xffff;
	v18 =	vnsel vm15, $0x0, v18  }
0x5f: {  	v13 =	vmin.u32 v9, $0x186A0;
	[tilespmem:s24+$0x1C090] =	vst v12;
	v12 =	vmin.u32 v18, $0x186A0;
	v18 =	vld [tilespmem:s23+$0x1A4B0]  }
0x60: {  	[tilespmem:s24+$0x1C010] =	vst v16;
	vm4 =	vgt.s32 v19, $0x0;
	v14 =	vld.idx.msk [tilespmem:v14+s3+$0x0], $0xffff  }
0x61: {  	vm5 =	vgt.s32 v15, $0x0;
	v8 =	vld.idx.msk [tilespmem:v8+s3+$0x0], $0xffff;
	v16 =	vnsel vm4, $0x0, v19  }
0x62: {  	v15 =	vnsel vm5, $0x0, v15;
	v19 =	vld [tilespmem:s24+$0x1A0C0];
	v16 =	vmin.u32 v16, $0x186A0  }
0x63: {  	v3 =	vld [tilespmem:s23+$0x1A410];
	[tilespmem:s23+$0x1C060] =	vst v5;
	v5 =	vmin.u32 v15, $0x186A0  }
0x64: {  	v13 =	vld.idx.msk [tilespmem:v13+s3+$0x0], $0xffff;
	[tilespmem:s23+$0x1C490] =	vst v10;
	vm7 =	vgt.s32 v18, $0x0  }
0x65: {  	vm6 =	vgt.s32 v4, $0x0;
	v12 =	vld.idx.msk [tilespmem:v12+s3+$0x0], $0xffff;
	v15 =	vnsel vm7, $0x0, v18  }
0x66: {  	v4 =	vnsel vm6, $0x0, v4;
	[tilespmem:s24+$0x1C0A0] =	vst v14;
	v14 =	vmin.u32 v15, $0x186A0;
	v15 =	vld [tilespmem:s23+$0x1A4B8]  }
0x67: {  	v4 =	vmin.u32 v4, $0x186A0;
	[tilespmem:s24+$0x1C020] =	vst v8;
	vm8 =	vgt.s32 v19, $0x0;
	v8 =	vld.idx.msk [tilespmem:v16+s3+$0x0], $0xffff  }
0x68: {  	v16 =	vld.idx.msk [tilespmem:v5+s3+$0x0], $0xffff;
	v5 =	vnsel vm8, $0x0, v19  }
0x69: {  	v19 =	vld [tilespmem:s24+$0x1A0D0];
	v18 =	vmin.u32 v5, $0x186A0  }
0x6a: {  	v50 =	vld [tilespmem:s26+$0x1A040];
	vm9 =	vgt.s32 v17, $0x0  }
0x6b: {  	v2 =	vld [tilespmem:s23+$0x1A420];
	[tilespmem:s23+$0x1C070] =	vst v13;
	v5 =	vnsel vm9, $0x0, v17  }
0x6c: {  	vm10 =	vgt.s32 v3, $0x0;
	v4 =	vld.idx.msk [tilespmem:v4+s3+$0x0], $0xffff;
	v13 =	vmin.u32 v5, $0x186A0;
	[tilespmem:s23+$0x1C4A0] =	vst v12;
	vm11 =	vgt.s32 v15, $0x0  }
0x6d: {  	v3 =	vnsel vm10, $0x0, v3;
	v12 =	vld.idx.msk [tilespmem:v14+s3+$0x0], $0xffff;
	[tilespmem:s24+$0x1C0B0] =	vst v8;
	v15 =	vnsel vm11, $0x0, v15  }
0x6e: {  	v14 =	vmin.u32 v3, $0x186A0;
	vm12 =	vgt.s32 v19, $0x0;
	v8 =	vmin.u32 v15, $0x186A0;
	v15 =	vld.idx.msk [tilespmem:v18+s3+$0x0], $0xffff  }
0x6f: {  	v17 =	vnsel vm12, $0x0, v19;
	v18 =	vld [tilespmem:s24+$0x1A0E0]  }
0x70: {  	v26 =	vld [tilespmem:s26+$0x1A0A0];
	[tilespmem:s24+$0x1C030] =	vst v16;
	v16 =	vmin.u32 v17, $0x186A0  }
0x71: {  	v13 =	vld.idx.msk [tilespmem:v13+s3+$0x0], $0xffff  }
0x72: {  	v27 =	vld [tilespmem:s26+$0x1A060];
	vm14 =	vgt.s32 v2, $0x0;
	[tilespmem:s23+$0x1C400] =	vst v4  }
0x73: {  	v2 =	vnsel vm14, $0x0, v2;
	v14 =	vld.idx.msk [tilespmem:v14+s3+$0x0], $0xffff;
	[tilespmem:s23+$0x1C4B0] =	vst v12  }
0x74: {  	v12 =	vmin.u32 v2, $0x186A0;
	v2 =	vld.idx.msk [tilespmem:v8+s3+$0x0], $0xffff;
	[tilespmem:s24+$0x1C0C0] =	vst v15;
	vm15 =	vgt.s32 v18, $0x0  }
0x75: {  	v8 =	vld.idx.msk [tilespmem:v16+s3+$0x0], $0xffff;
	v15 =	vnsel vm15, $0x0, v18  }
0x76: {  	[tilespmem:s24+$0x1C040] =	vst v13;
	v13 =	vmin.u32 v15, $0x186A0;
	v15 =	vld [tilespmem:s24+$0x1A0F0]  }
0x77: {  	v52 =	vld [tilespmem:s26+$0x1A070]  }
0x78: {  	[tilespmem:s23+$0x1C410] =	vst v14;
	v14 =	vld [tilespmem:s25+$0x1A080]  }
0x79: {  	v16 =	vld [tilespmem:s25+$0x1A000]  }
0x7a: {  	v11 =	vld [tilespmem:s24+$0x1A050]  }
0x7b: {  	v17 =	vld [tilespmem:s24+$0x1A480];
	[tilespmem:s24+$0x1C0D0] =	vst v8;
	vm4 =	vgt.s32 v15, $0x0  }
0x7c: {  	v8 =	vld.idx.msk [tilespmem:v13+s3+$0x0], $0xffff;
	v15 =	vnsel vm4, $0x0, v15  }
0x7d: {  	v56 =	vld [tilespmem:s26+$0x1A0B0];
	vm5 =	vgt.s32 v14, $0x0;
	v15 =	vmin.u32 v15, $0x186A0  }
0x7e: {  	v57 =	vld [tilespmem:s26+$0x1A400];
	vm6 =	vgt.s32 v16, $0x0;
	v14 =	vnsel vm5, $0x0, v14  }
0x7f: {  	v1 =	vld [tilespmem:s23+$0x1A430];
	v16 =	vnsel vm6, $0x0, v16;
	v14 =	vmin.u32 v14, $0x186A0  }
0x80: {  	vm13 =	vgt.s32 v11, $0x0;
	v13 =	vld [tilespmem:s25+$0x1A010];
	v16 =	vmin.u32 v16, $0x186A0  }
0x81: {  	v7 =	vld [tilespmem:s24+$0x1A060];
	v11 =	vnsel vm13, $0x0, v11;
	vm7 =	vgt.s32 v17, $0x0;
	[tilespmem:s24+$0x1C0E0] =	vst v8  }
0x82: {  	v11 =	vmin.u32 v11, $0x186A0;
	v17 =	vnsel vm7, $0x0, v17;
	v8 =	vld.idx.msk [tilespmem:v15+s3+$0x0], $0xffff  }
0x83: {  	v6 =	vld [tilespmem:s24+$0x1A070];
	vm8 =	vgt.s32 v34, $0x0;
	v17 =	vmin.u32 v17, $0x186A0  }
0x84: {  	v20 =	vnsel vm8, $0x0, v34;
	v14 =	vld.idx.msk [tilespmem:v14+s3+$0x0], $0xffff  }
0x85: {  	v20 =	vmin.u32 v20, $0x186A0;
	vm9 =	vgt.s32 v13, $0x0;
	v16 =	vld.idx.msk [tilespmem:v16+s3+$0x0], $0xffff  }
0x86: {  	vm10 =	vgt.s32 v7, $0x0;
	v18 =	vld [tilespmem:s25+$0x1A020];
	v13 =	vnsel vm9, $0x0, v13  }
0x87: {  	v7 =	vnsel vm10, $0x0, v7;
	vm11 =	vgt.s32 v22, $0x0;
	v11 =	vld.idx.msk [tilespmem:v11+s3+$0x0], $0xffff;
	v24 =	vmin.u32 v13, $0x186A0;
	[tilespmem:s24+$0x1C0F0] =	vst v8  }
0x88: {  	v7 =	vmin.u32 v7, $0x186A0;
	v22 =	vnsel vm11, $0x0, v22;
	v17 =	vld.idx.msk [tilespmem:v17+s3+$0x0], $0xffff  }
0x89: {  	v9 =	vld [tilespmem:s24+$0x1A400];
	[tilespmem:s25+$0x1C080] =	vst v14;
	v14 =	vmin.u32 v22, $0x186A0  }
0x8a: {  	vm12 =	vgt.s32 v23, $0x0;
	[tilespmem:s25+$0x1C000] =	vst v16;
	v16 =	vld.idx.msk [tilespmem:v20+s3+$0x0], $0xffff  }
0x8b: {  	v19 =	vld [tilespmem:s25+$0x1A030];
	v23 =	vnsel vm12, $0x0, v23;
	vm13 =	vgt.s32 v18, $0x0  }
0x8c: {  	vm14 =	vgt.s32 v6, $0x0;
	[tilespmem:s24+$0x1C050] =	vst v11;
	v11 =	vnsel vm13, $0x0, v18;
	v18 =	vmin.u32 v23, $0x186A0;
	v37 =	vld.idx.msk [tilespmem:v24+s3+$0x0], $0xffff  }
0x8d: {  	v6 =	vnsel vm14, $0x0, v6;
	vm15 =	vgt.s32 v36, $0x0;
	v39 =	vld.idx.msk [tilespmem:v7+s3+$0x0], $0xffff;
	v11 =	vmin.u32 v11, $0x186A0;
	[tilespmem:s24+$0x1C480] =	vst v17  }
0x8e: {  	v6 =	vmin.u32 v6, $0x186A0;
	v17 =	vnsel vm15, $0x0, v36;
	v14 =	vld.idx.msk [tilespmem:v14+s3+$0x0], $0xffff  }
0x8f: {  	[tilespmem:s25+$0x1C090] =	vst v16;
	v16 =	vmin.u32 v17, $0x186A0;
	v17 =	vld [tilespmem:s24+$0x1A4B0]  }
0x90: {  	v10 =	vld [tilespmem:s24+$0x1A410];
	vm4 =	vgt.s32 v38, $0x0  }
0x91: {  	vm5 =	vgt.s32 v19, $0x0;
	v40 =	vnsel vm4, $0x0, v38;
	[tilespmem:s25+$0x1C010] =	vst v37;
	v18 =	vld.idx.msk [tilespmem:v18+s3+$0x0], $0xffff  }
0x92: {  	v19 =	vnsel vm5, $0x0, v19;
	[tilespmem:s24+$0x1C060] =	vst v39;
	v20 =	vmin.u32 v40, $0x186A0;
	v11 =	vld.idx.msk [tilespmem:v11+s3+$0x0], $0xffff  }
0x93: {  	vm6 =	vgt.s32 v9, $0x0;
	v19 =	vmin.u32 v19, $0x186A0;
	v42 =	vld.idx.msk [tilespmem:v6+s3+$0x0], $0xffff;
	[tilespmem:s24+$0x1C490] =	vst v14  }
0x94: {  	v6 =	vnsel vm6, $0x0, v9;
	vm7 =	vgt.s32 v17, $0x0;
	v9 =	vld.idx.msk [tilespmem:v16+s3+$0x0], $0xffff  }
0x95: {  	v14 =	vmin.u32 v6, $0x186A0;
	v16 =	vnsel vm7, $0x0, v17;
	v17 =	vld [tilespmem:s24+$0x1A4B8]  }
0x96: {  	vm8 =	vgt.s32 v41, $0x0;
	v5 =	vld [tilespmem:s24+$0x1A420];
	[tilespmem:s25+$0x1C0A0] =	vst v18;
	v16 =	vmin.u32 v16, $0x186A0  }
0x97: {  	[tilespmem:s25+$0x1C020] =	vst v11;
	v11 =	vnsel vm8, $0x0, v41;
	v18 =	vld.idx.msk [tilespmem:v20+s3+$0x0], $0xffff  }
0x98: {  	v19 =	vld.idx.msk [tilespmem:v19+s3+$0x0], $0xffff;
	v43 =	vmin.u32 v11, $0x186A0  }
0x99: {  	vm10 =	vgt.s32 v10, $0x0;
	v15 =	vld [tilespmem:s25+$0x1A050];
	[tilespmem:s24+$0x1C070] =	vst v42  }
0x9a: {  	v14 =	vld.idx.msk [tilespmem:v14+s3+$0x0], $0xffff;
	[tilespmem:s24+$0x1C4A0] =	vst v9;
	v9 =	vnsel vm10, $0x0, v10;
	vm11 =	vgt.s32 v17, $0x0  }
0x9b: {  	vm12 =	vgt.s32 v1, $0x0;
	v16 =	vld.idx.msk [tilespmem:v16+s3+$0x0], $0xffff;
	v9 =	vmin.u32 v9, $0x186A0;
	v17 =	vnsel vm11, $0x0, v17  }
0x9c: {  	v1 =	vnsel vm12, $0x0, v1;
	v12 =	vld.idx.msk [tilespmem:v12+s3+$0x0], $0xffff;
	vm13 =	vgt.s32 v44, $0x0;
	[tilespmem:s25+$0x1C0B0] =	vst v18;
	v17 =	vmin.u32 v17, $0x186A0  }
0x9d: {  	v1 =	vmin.u32 v1, $0x186A0;
	[tilespmem:s25+$0x1C030] =	vst v19;
	v19 =	vnsel vm13, $0x0, v44;
	v18 =	vld.idx.msk [tilespmem:v43+s3+$0x0], $0xffff  }
0x9e: {  	v59 =	vld [tilespmem:s26+$0x1A0C0];
	v19 =	vmin.u32 v19, $0x186A0  }
0x9f: {  	v0 =	vld [tilespmem:s23+$0x1A438];
	vm14 =	vgt.s32 v15, $0x0;
	[tilespmem:s24+$0x1C400] =	vst v14  }
0xa0: {  	vm15 =	vgt.s32 v5, $0x0;
	v14 =	vnsel vm14, $0x0, v15;
	v15 =	vld.idx.msk [tilespmem:v9+s3+$0x0], $0xffff;
	[tilespmem:s24+$0x1C4B0] =	vst v16  }
0xa1: {  	[tilespmem:s23+$0x1C420] =	vst v12;
	v5 =	vnsel vm15, $0x0, v5;
	v9 =	vld.idx.msk [tilespmem:v17+s3+$0x0], $0xffff  }
0xa2: {  	v17 =	vmin.u32 v5, $0x186A0;
	[tilespmem:s25+$0x1C0C0] =	vst v18;
	v5 =	vld.idx.msk [tilespmem:v1+s3+$0x0], $0xffff  }
0xa3: {  	vm4 =	vgt.s32 v45, $0x0;
	v1 =	vld.idx.msk [tilespmem:v19+s3+$0x0], $0xffff  }
0xa4: {  	v12 =	vnsel vm4, $0x0, v45;
	v19 =	vld [tilespmem:s25+$0x1A0F0]  }
0xa5: {  	v62 =	vld [tilespmem:s26+$0x1A430];
	v18 =	vmin.u32 v12, $0x186A0  }
0xa6: {  	[tilespmem:s24+$0x1C410] =	vst v15;
	v15 =	vld [tilespmem:s26+$0x1A080]  }
0xa7: {  	v12 =	vld.idx.msk [tilespmem:v17+s3+$0x0], $0xffff  }
0xa8: {  	vm9 =	vgt.s32 v35, $0x0;
	v17 =	vld [tilespmem:s26+$0x1A000]  }
0xa9: {  	v3 =	vld [tilespmem:s24+$0x1A430];
	v11 =	vnsel vm9, $0x0, v35;
	[tilespmem:s25+$0x1C0D0] =	vst v1;
	vm5 =	vgt.s32 v19, $0x0  }
0xaa: {  	v21 =	vmin.u32 v11, $0x186A0;
	v1 =	vld.idx.msk [tilespmem:v18+s3+$0x0], $0xffff;
	v19 =	vnsel vm5, $0x0, v19  }
0xab: {  	v4 =	vld [tilespmem:s24+$0x1A438];
	v19 =	vmin.u32 v19, $0x186A0  }
0xac: {  	v7 =	vld [tilespmem:s25+$0x1A400];
	vm6 =	vgt.s32 v15, $0x0  }
0xad: {  	v13 =	vld [tilespmem:s25+$0x1A060];
	vm7 =	vgt.s32 v17, $0x0;
	v15 =	vnsel vm6, $0x0, v15  }
0xae: {  	v18 =	vld [tilespmem:s26+$0x1A010];
	v17 =	vnsel vm7, $0x0, v17;
	v15 =	vmin.u32 v15, $0x186A0  }
0xaf: {  	vm8 =	vgt.s32 v46, $0x0;
	v21 =	vld.idx.msk [tilespmem:v21+s3+$0x0], $0xffff;
	v17 =	vmin.u32 v17, $0x186A0;
	[tilespmem:s25+$0x1C0E0] =	vst v1  }
0xb0: {  	v20 =	vnsel vm8, $0x0, v46;
	v16 =	vmin.u32 v14, $0x186A0;
	v1 =	vld.idx.msk [tilespmem:v19+s3+$0x0], $0xffff  }
0xb1: {  	v8 =	vld [tilespmem:s25+$0x1A070];
	v20 =	vmin.u32 v20, $0x186A0  }
0xb2: {  	v6 =	vld [tilespmem:s25+$0x1A410];
	vm9 =	vgt.s32 v49, $0x0  }
0xb3: {  	v23 =	vnsel vm9, $0x0, v49;
	vm10 =	vgt.s32 v18, $0x0;
	v15 =	vld.idx.msk [tilespmem:v15+s3+$0x0], $0xffff  }
0xb4: {  	v23 =	vmin.u32 v23, $0x186A0;
	[tilespmem:s25+$0x1C040] =	vst v21;
	v18 =	vnsel vm10, $0x0, v18;
	v17 =	vld.idx.msk [tilespmem:v17+s3+$0x0], $0xffff  }
0xb5: {  	vm11 =	vgt.s32 v13, $0x0;
	v16 =	vld.idx.msk [tilespmem:v16+s3+$0x0], $0xffff;
	v18 =	vmin.u32 v18, $0x186A0;
	[tilespmem:s25+$0x1C0F0] =	vst v1  }
0xb6: {  	vm12 =	vgt.s32 v25, $0x0;
	v1 =	vnsel vm11, $0x0, v13;
	v13 =	vld.idx.msk [tilespmem:v20+s3+$0x0], $0xffff  }
0xb7: {  	v51 =	vnsel vm12, $0x0, v25;
	v11 =	vld [tilespmem:s25+$0x1A420];
	v1 =	vmin.u32 v1, $0x186A0  }
0xb8: {  	vm13 =	vgt.s32 v26, $0x0;
	v10 =	vld [tilespmem:s25+$0x1A430];
	[tilespmem:s26+$0x1C080] =	vst v15;
	v15 =	vmin.u32 v51, $0x186A0  }
0xb9: {  	v54 =	vnsel vm13, $0x0, v26;
	vm14 =	vgt.s32 v47, $0x0;
	[tilespmem:s26+$0x1C000] =	vst v17;
	v17 =	vld.idx.msk [tilespmem:v23+s3+$0x0], $0xffff  }
0xba: {  	v55 =	vmin.u32 v54, $0x186A0;
	[tilespmem:s25+$0x1C050] =	vst v16;
	v16 =	vnsel vm14, $0x0, v47;
	v18 =	vld.idx.msk [tilespmem:v18+s3+$0x0], $0xffff  }
0xbb: {  	vm15 =	vgt.s32 v8, $0x0;
	v14 =	vld [tilespmem:s25+$0x1A438];
	[tilespmem:s25+$0x1C480] =	vst v13;
	v13 =	vmin.u32 v16, $0x186A0  }
0xbc: {  	vm4 =	vgt.s32 v53, $0x0;
	v8 =	vnsel vm15, $0x0, v8;
	v1 =	vld.idx.msk [tilespmem:v1+s3+$0x0], $0xffff  }
0xbd: {  	v8 =	vmin.u32 v8, $0x186A0;
	v16 =	vnsel vm4, $0x0, v53;
	v15 =	vld.idx.msk [tilespmem:v15+s3+$0x0], $0xffff  }
0xbe: {  	vm5 =	vgt.s32 v56, $0x0;
	v16 =	vmin.u32 v16, $0x186A0;
	[tilespmem:s26+$0x1C090] =	vst v17;
	v17 =	vld [tilespmem:s25+$0x1A4B0]  }
0xbf: {  	v58 =	vnsel vm5, $0x0, v56;
	vm6 =	vgt.s32 v48, $0x0;
	[tilespmem:s26+$0x1C010] =	vst v18;
	v18 =	vld.idx.msk [tilespmem:v55+s3+$0x0], $0xffff  }
0xc0: {  	vm12 =	vgt.s32 v59, $0x0;
	v21 =	vmin.u32 v58, $0x186A0;
	v22 =	vnsel vm6, $0x0, v48;
	v13 =	vld.idx.msk [tilespmem:v13+s3+$0x0], $0xffff  }
0xc1: {  	vm8 =	vgt.s32 v7, $0x0;
	vm13 =	vgt.s32 v50, $0x0;
	v22 =	vmin.u32 v22, $0x186A0;
	v19 =	vld [tilespmem:s26+$0x1A050];
	[tilespmem:s25+$0x1C060] =	vst v1  }
0xc2: {  	vm15 =	vgt.s32 v11, $0x0;
	v61 =	vnsel vm13, $0x0, v50;
	vm5 =	vgt.s32 v10, $0x0;
	v8 =	vld.idx.msk [tilespmem:v8+s3+$0x0], $0xffff;
	[tilespmem:s25+$0x1C490] =	vst v15  }
0xc3: {  	vm10 =	vgt.s32 v3, $0x0;
	v1 =	vnsel vm8, $0x0, v7;
	v7 =	vld.idx.msk [tilespmem:v16+s3+$0x0], $0xffff;
	vm9 =	vgt.s32 v17, $0x0  }
0xc4: {  	v3 =	vnsel vm10, $0x0, v3;
	v15 =	vmin.u32 v1, $0x186A0;
	v1 =	vnsel vm9, $0x0, v17;
	[tilespmem:s26+$0x1C0A0] =	vst v18;
	v18 =	vld [tilespmem:s25+$0x1A4B8]  }
0xc5: {  	vm11 =	vgt.s32 v4, $0x0;
	v17 =	vmin.u32 v1, $0x186A0;
	[tilespmem:s26+$0x1C020] =	vst v13;
	v13 =	vmin.u32 v3, $0x186A0;
	v3 =	vld.idx.msk [tilespmem:v21+s3+$0x0], $0xffff  }
0xc6: {  	vm14 =	vgt.s32 v6, $0x0;
	v1 =	vnsel vm11, $0x0, v4;
	v4 =	vnsel vm12, $0x0, v59;
	v60 =	vld.idx.msk [tilespmem:v22+s3+$0x0], $0xffff  }
0xc7: {  	v10 =	vnsel vm5, $0x0, v10;
	vm7 =	vgt.s32 v0, $0x0;
	v23 =	vmin.u32 v4, $0x186A0;
	[tilespmem:s25+$0x1C070] =	vst v8;
	v8 =	vld [tilespmem:s26+$0x1A0D0]  }
0xc8: {  	v0 =	vnsel vm7, $0x0, v0;
	v16 =	vld [tilespmem:s26+$0x1A410];
	v4 =	vnsel vm14, $0x0, v6;
	v6 =	vmin.u32 v61, $0x186A0  }
0xc9: {  	vm6 =	vgt.s32 v14, $0x0;
	v0 =	vmin.u32 v0, $0x186A0;
	vm10 =	vgt.s32 v52, $0x0;
	v15 =	vld.idx.msk [tilespmem:v15+s3+$0x0], $0xffff;
	[tilespmem:s25+$0x1C4A0] =	vst v7  }
0xca: {  	[tilespmem:s23+$0x1C4B8] =	vst v2;
	v7 =	vmin.u32 v4, $0x186A0;
	v4 =	vnsel vm15, $0x0, v11;
	vm4 =	vgt.s32 v18, $0x0;
	v11 =	vld.idx.msk [tilespmem:v17+s3+$0x0], $0xffff  }
0xcb: {  	vm8 =	vgt.s32 v19, $0x0;
	v17 =	vnsel vm4, $0x0, v18;
	v18 =	vld [tilespmem:s26+$0x1A420];
	[tilespmem:s26+$0x1C0B0] =	vst v3;
	v3 =	vmin.u32 v10, $0x186A0  }
0xcc: {  	v10 =	vnsel vm6, $0x0, v14;
	v17 =	vmin.u32 v17, $0x186A0;
	[tilespmem:s26+$0x1C030] =	vst v60;
	v14 =	vld.idx.msk [tilespmem:v23+s3+$0x0], $0xffff;
	vm7 =	vgt.s32 v8, $0x0  }
0xcd: {  	[tilespmem:s23+$0x1C430] =	vst v5;
	vm9 =	vgt.s32 v27, $0x0;
	vm11 =	vgt.s32 v57, $0x0;
	v8 =	vnsel vm7, $0x0, v8;
	v21 =	vld.idx.msk [tilespmem:v6+s3+$0x0], $0xffff  }
0xce: {  	[tilespmem:s24+$0x1C420] =	vst v12;
	vm14 =	vgt.s32 v62, $0x0;
	v6 =	vnsel vm8, $0x0, v19;
	v19 =	vld [tilespmem:s26+$0x1A0E0];
	v8 =	vmin.u32 v8, $0x186A0  }
0xcf: {  	v12 =	vld [tilespmem:s26+$0x1A438];
	v1 =	vmin.u32 v1, $0x186A0;
	v5 =	vnsel vm14, $0x0, v62;
	[tilespmem:s25+$0x1C400] =	vst v15;
	v15 =	vmin.u32 v6, $0x186A0  }
0xd0: {  	vm12 =	vgt.s32 v16, $0x0;
	v4 =	vmin.u32 v4, $0x186A0;
	v6 =	vnsel vm9, $0x0, v27;
	v63 =	vld.idx.msk [tilespmem:v7+s3+$0x0], $0xffff;
	[tilespmem:s25+$0x1C4B0] =	vst v11  }
0xd1: {  	[tilespmem:s24+$0x1C4B8] =	vst v9;
	v2 =	vmin.u32 v10, $0x186A0;
	v9 =	vmin.u32 v6, $0x186A0;
	v6 =	vnsel vm10, $0x0, v52;
	v10 =	vld.idx.msk [tilespmem:v17+s3+$0x0], $0xffff  }
0xd2: {  	v5 =	vmin.u32 v5, $0x186A0;
	v16 =	vnsel vm12, $0x0, v16;
	v7 =	vmin.u32 v6, $0x186A0;
	v11 =	vld.idx.msk [tilespmem:v13+s3+$0x0], $0xffff;
	[tilespmem:s26+$0x1C0C0] =	vst v14  }
0xd3: {  	v6 =	vnsel vm11, $0x0, v57;
	vm13 =	vgt.s32 v18, $0x0;
	[tilespmem:s26+$0x1C040] =	vst v21;
	vm15 =	vgt.s32 v19, $0x0;
	v14 =	vld.idx.msk [tilespmem:v8+s3+$0x0], $0xffff  }
0xd4: {  	v13 =	vnsel vm13, $0x0, v18;
	v8 =	vmin.u32 v16, $0x186A0;
	v15 =	vld.idx.msk [tilespmem:v15+s3+$0x0], $0xffff;
	v16 =	vnsel vm15, $0x0, v19  }
0xd5: {  	s29 =	simm.s32 $0x400;
	s30 =	simm.s32 $0x800;
	s28 =	simm.s32 $0x6;
	v6 =	vmin.u32 v6, $0x186A0;
	v13 =	vmin.u32 v13, $0x186A0;
	[tilespmem:s25+$0x1C410] =	vst v63;
	v17 =	vmin.u32 v16, $0x186A0;
	v16 =	vld [tilespmem:s26+$0x1A0F0]  }
.LBB2_3:
0xd6: {  	s31 =	sand.u32 $0x800, s30;
	s0 =	sand.u32 $0x300, s29;
	s28 =	sadd.s32 $0x2, s28;
	vm0 =	vgt.s32 v12, $0x0;
	v18 =	vld.idx.msk [tilespmem:v4+s3+$0x0], $0xffff;
	[tilespmem:s25+$0x1C4B8] =	vst v10;
	v4 =	vmov v13  }
0xd7: {  	s0 =	sor.u32 s0, s31;
	p1 =	slt.u32 s28, $0xE;
	v10 =	vnsel vm0, $0x0, v12;
	v12 =	vld.idx.msk [tilespmem:v0+s3+$0x0], $0xffff;
	v0 =	vmov v1;
	v1 =	vmov v2  }
0xd8: {  	v13 =	vld [tilespmem:s0+$0x1A080];
	v2 =	vmin.u32 v10, $0x186A0;
	[tilespmem:s24+$0x1C430] =	vst v11  }
0xd9: {  	v10 =	vld [tilespmem:s0+$0x1A000];
	[tilespmem:s26+$0x1C0D0] =	vst v14  }
0xda: {  	[tilespmem:s26+$0x1C050] =	vst v15;
	v11 =	vld.idx.msk [tilespmem:v17+s3+$0x0], $0xffff;
	vm0 =	vgt.s32 v16, $0x0  }
0xdb: {  	v14 =	vld [tilespmem:s0+$0x1A010];
	v15 =	vnsel vm0, $0x0, v16  }
0xdc: {  	v15 =	vmin.u32 v15, $0x186A0;
	v16 =	vld [tilespmem:s26+$0x1A480];
	[tilespmem:s25+$0x1C420] =	vst v18  }
0xdd: {  	v17 =	vld [tilespmem:s0+$0x1A020];
	vm0 =	vgt.s32 v13, $0x0;
	[tilespmem:s23+$0x1C438] =	vst v12;
	s23 =	smov.u32 s24;
	s24 =	smov.u32 s25;
	s25 =	smov.u32 s26  }
0xde: {  	s26 =	smov.u32 s0;
	vm1 =	vgt.s32 v10, $0x0;
	v12 =	vld [tilespmem:s0+$0x1A030];
	v13 =	vnsel vm0, $0x0, v13  }
0xdf: {  	v10 =	vnsel vm1, $0x0, v10;
	v13 =	vmin.u32 v13, $0x186A0;
	v18 =	vld [tilespmem:s26+$0x1A090]  }
0xe0: {  	v10 =	vmin.u32 v10, $0x186A0;
	vm0 =	vgt.s32 v14, $0x0;
	v19 =	vld [tilespmem:s26+$0x1A040];
	[tilespmem:s25+$0x1C0E0] =	vst v11  }
0xe1: {  	v11 =	vnsel vm0, $0x0, v14;
	v14 =	vld.idx.msk [tilespmem:v15+s3+$0x0], $0xffff;
	vm0 =	vgt.s32 v16, $0x0  }
0xe2: {  	v11 =	vmin.u32 v11, $0x186A0;
	vm1 =	vgt.s32 v17, $0x0;
	v15 =	vld [tilespmem:s26+$0x1A050];
	v16 =	vnsel vm0, $0x0, v16  }
0xe3: {  	v17 =	vnsel vm1, $0x0, v17;
	vm0 =	vgt.s32 v12, $0x0;
	v16 =	vmin.u32 v16, $0x186A0;
	v20 =	vld [tilespmem:s25+$0x1A490]  }
0xe4: {  	v17 =	vmin.u32 v17, $0x186A0;
	v12 =	vnsel vm0, $0x0, v12;
	v13 =	vld.idx.msk [tilespmem:v13+s3+$0x0], $0xffff;
	vm0 =	vgt.s32 v18, $0x0  }
0xe5: {  	v10 =	vld.idx.msk [tilespmem:v10+s3+$0x0], $0xffff;
	v12 =	vmin.u32 v12, $0x186A0;
	vm1 =	vgt.s32 v19, $0x0;
	v18 =	vnsel vm0, $0x0, v18  }
0xe6: {  	v19 =	vnsel vm1, $0x0, v19;
	v18 =	vmin.u32 v18, $0x186A0;
	v21 =	vld [tilespmem:s26+$0x1A0A0]  }
0xe7: {  	v19 =	vmin.u32 v19, $0x186A0;
	vm0 =	vgt.s32 v15, $0x0;
	v22 =	vld [tilespmem:s26+$0x1A060];
	[tilespmem:s25+$0x1C0F0] =	vst v14  }
0xe8: {  	v14 =	vnsel vm0, $0x0, v15;
	v15 =	vld.idx.msk [tilespmem:v16+s3+$0x0], $0xffff;
	vm0 =	vgt.s32 v20, $0x0  }
0xe9: {  	v16 =	vmin.u32 v14, $0x186A0;
	v14 =	vld [tilespmem:s26+$0x1A070];
	v20 =	vnsel vm0, $0x0, v20  }
0xea: {  	[tilespmem:s26+$0x1C080] =	vst v13;
	v13 =	vmin.u32 v20, $0x186A0;
	v20 =	vld [tilespmem:s25+$0x1A4A0]  }
0xeb: {  	[tilespmem:s26+$0x1C000] =	vst v10;
	v10 =	vld.idx.msk [tilespmem:v18+s3+$0x0], $0xffff;
	vm0 =	vgt.s32 v21, $0x0  }
0xec: {  	v11 =	vld.idx.msk [tilespmem:v11+s3+$0x0], $0xffff;
	vm1 =	vgt.s32 v22, $0x0;
	v18 =	vnsel vm0, $0x0, v21  }
0xed: {  	v21 =	vnsel vm1, $0x0, v22;
	v18 =	vmin.u32 v18, $0x186A0;
	v22 =	vld [tilespmem:s26+$0x1A0B0]  }
0xee: {  	vm0 =	vgt.s32 v14, $0x0;
	v23 =	vld.idx.msk [tilespmem:v9+s3+$0x0], $0xffff;
	v9 =	vmin.u32 v21, $0x186A0;
	[tilespmem:s25+$0x1C480] =	vst v15  }
0xef: {  	v14 =	vnsel vm0, $0x0, v14;
	v13 =	vld.idx.msk [tilespmem:v13+s3+$0x0], $0xffff;
	vm0 =	vgt.s32 v20, $0x0  }
0xf0: {  	v14 =	vmin.u32 v14, $0x186A0;
	v15 =	vld [tilespmem:s26+$0x1A400];
	v20 =	vnsel vm0, $0x0, v20  }
0xf1: {  	[tilespmem:s26+$0x1C090] =	vst v10;
	v10 =	vmin.u32 v20, $0x186A0;
	v20 =	vld [tilespmem:s25+$0x1A4B0]  }
0xf2: {  	[tilespmem:s26+$0x1C010] =	vst v11;
	v11 =	vld.idx.msk [tilespmem:v18+s3+$0x0], $0xffff;
	vm0 =	vgt.s32 v22, $0x0  }
0xf3: {  	v17 =	vld.idx.msk [tilespmem:v17+s3+$0x0], $0xffff;
	v18 =	vnsel vm0, $0x0, v22  }
0xf4: {  	v18 =	vmin.u32 v18, $0x186A0;
	v21 =	vld [tilespmem:s26+$0x1A0C0];
	[tilespmem:s25+$0x1C060] =	vst v23  }
0xf5: {  	vm0 =	vgt.s32 v15, $0x0;
	v22 =	vld.idx.msk [tilespmem:v7+s3+$0x0], $0xffff;
	[tilespmem:s25+$0x1C490] =	vst v13;
	v7 =	vmov v14  }
0xf6: {  	v13 =	vnsel vm0, $0x0, v15;
	v10 =	vld.idx.msk [tilespmem:v10+s3+$0x0], $0xffff;
	vm0 =	vgt.s32 v20, $0x0  }
0xf7: {  	v13 =	vmin.u32 v13, $0x186A0;
	v14 =	vld [tilespmem:s26+$0x1A410];
	v15 =	vnsel vm0, $0x0, v20  }
0xf8: {  	[tilespmem:s26+$0x1C0A0] =	vst v11;
	v11 =	vmin.u32 v15, $0x186A0;
	v15 =	vld [tilespmem:s25+$0x1A4B8]  }
0xf9: {  	[tilespmem:s26+$0x1C020] =	vst v17;
	v17 =	vld.idx.msk [tilespmem:v18+s3+$0x0], $0xffff;
	vm0 =	vgt.s32 v21, $0x0  }
0xfa: {  	v12 =	vld.idx.msk [tilespmem:v12+s3+$0x0], $0xffff;
	v18 =	vnsel vm0, $0x0, v21  }
0xfb: {  	v18 =	vmin.u32 v18, $0x186A0;
	v20 =	vld [tilespmem:s26+$0x1A0D0];
	[tilespmem:s25+$0x1C070] =	vst v22  }
0xfc: {  	vm0 =	vgt.s32 v14, $0x0;
	v21 =	vld.idx.msk [tilespmem:v6+s3+$0x0], $0xffff;
	[tilespmem:s25+$0x1C4A0] =	vst v10;
	v6 =	vmov v13  }
0xfd: {  	v10 =	vnsel vm0, $0x0, v14;
	v11 =	vld.idx.msk [tilespmem:v11+s3+$0x0], $0xffff;
	vm0 =	vgt.s32 v15, $0x0  }
0xfe: {  	v10 =	vmin.u32 v10, $0x186A0;
	v13 =	vld [tilespmem:s26+$0x1A420];
	v14 =	vnsel vm0, $0x0, v15  }
0xff: {  	v15 =	vld [tilespmem:s26+$0x1A430];
	[tilespmem:s26+$0x1C0B0] =	vst v17;
	v14 =	vmin.u32 v14, $0x186A0  }
0x100: {  	[tilespmem:s26+$0x1C030] =	vst v12;
	v17 =	vld.idx.msk [tilespmem:v18+s3+$0x0], $0xffff;
	vm0 =	vgt.s32 v20, $0x0  }
0x101: {  	v18 =	vld.idx.msk [tilespmem:v19+s3+$0x0], $0xffff;
	v12 =	vnsel vm0, $0x0, v20  }
0x102: {  	v19 =	vmin.u32 v12, $0x186A0;
	v20 =	vld [tilespmem:s26+$0x1A0E0];
	[tilespmem:s25+$0x1C400] =	vst v21  }
0x103: {  	vm0 =	vgt.s32 v13, $0x0;
	v21 =	vld.idx.msk [tilespmem:v8+s3+$0x0], $0xffff;
	[tilespmem:s25+$0x1C4B0] =	vst v11;
	v8 =	vmov v10  }
0x104: {  	v11 =	vnsel vm0, $0x0, v13;
	vm0 =	vgt.s32 v15, $0x0;
	v10 =	vld.idx.msk [tilespmem:v14+s3+$0x0], $0xffff  }
.Ltmp0:
0x105: {  	v13 =	vmin.u32 v11, $0x186A0;
	v14 =	vnsel vm0, $0x0, v15;
	v12 =	vld [tilespmem:s26+$0x1A438];
	(pc) =	sbr.rel @p1 .LBB2_3-.Ltmp0, $4  }
0x106: {  	[tilespmem:s26+$0x1C0C0] =	vst v17;
	v11 =	vld.idx.msk [tilespmem:v3+s3+$0x0], $0xffff;
	v3 =	vmov v5;
	v5 =	vmin.u32 v14, $0x186A0  }
0x107: {  	[tilespmem:s26+$0x1C040] =	vst v18;
	v14 =	vld.idx.msk [tilespmem:v19+s3+$0x0], $0xffff;
	vm0 =	vgt.s32 v20, $0x0  }
0x108: {  	v15 =	vld.idx.msk [tilespmem:v16+s3+$0x0], $0xffff;
	v16 =	vnsel vm0, $0x0, v20  }
0x109: {  	s29 =	sadd.s32 $0x100, s29;
	s30 =	sadd.s32 $0x200, s30;
	v17 =	vmin.u32 v16, $0x186A0;
	v16 =	vld [tilespmem:s26+$0x1A0F0];
	[tilespmem:s25+$0x1C410] =	vst v21  }
0x10a: {  	_ =	sdelay $0x2  }
0x10b: {  	v49 =	vld [tilespmem:s26+$0x1A480];
	[tilespmem:s26+$0x1C050] =	vst v15  }
0x10c: {  	[tilespmem:s26+$0x1C0D0] =	vst v14;
	vm0 =	vgt.s32 v16, $0x0;
	v9 =	vld.idx.msk [tilespmem:v9+s3+$0x0], $0xffff  }
0x10d: {  	v14 =	vld.idx.msk [tilespmem:v17+s3+$0x0], $0xffff;
	v16 =	vnsel vm0, $0x0, v16  }
0x10e: {  	v16 =	vmin.u32 v16, $0x186A0;
	_ =	sdelay $0x2  }
0x10f: {  	v51 =	vld [tilespmem:s26+$0x1A490];
	[tilespmem:s26+$0x1C060] =	vst v9  }
0x110: {  	vm10 =	vgt.s32 v49, $0x0;
	[tilespmem:s26+$0x1C0E0] =	vst v14;
	v7 =	vld.idx.msk [tilespmem:v7+s3+$0x0], $0xffff  }
0x111: {  	v50 =	vnsel vm10, $0x0, v49;
	v14 =	vld.idx.msk [tilespmem:v16+s3+$0x0], $0xffff  }
0x112: {  	v15 =	vmin.u32 v50, $0x186A0;
	_ =	sdelay $0x2  }
0x113: {  	v54 =	vld [tilespmem:s26+$0x1A4A0];
	[tilespmem:s26+$0x1C070] =	vst v7  }
0x114: {  	vm11 =	vgt.s32 v51, $0x0;
	[tilespmem:s26+$0x1C0F0] =	vst v14;
	v6 =	vld.idx.msk [tilespmem:v6+s3+$0x0], $0xffff  }
0x115: {  	v53 =	vnsel vm11, $0x0, v51;
	v52 =	vld.idx.msk [tilespmem:v15+s3+$0x0], $0xffff  }
0x116: {  	v14 =	vmin.u32 v53, $0x186A0;
	_ =	sdelay $0x2  }
0x117: {  	v57 =	vld [tilespmem:s26+$0x1A4B0];
	[tilespmem:s26+$0x1C400] =	vst v6  }
0x118: {  	vm12 =	vgt.s32 v54, $0x0;
	[tilespmem:s26+$0x1C480] =	vst v52;
	v6 =	vld.idx.msk [tilespmem:v8+s3+$0x0], $0xffff  }
0x119: {  	v56 =	vnsel vm12, $0x0, v54;
	v55 =	vld.idx.msk [tilespmem:v14+s3+$0x0], $0xffff  }
0x11a: {  	v9 =	vmin.u32 v56, $0x186A0;
	_ =	sdelay $0x1  }
0x11b: {  	v59 =	vld [tilespmem:s26+$0x1A4B8]  }
0x11c: {  	v4 =	vld.idx.msk [tilespmem:v4+s3+$0x0], $0xffff;
	[tilespmem:s26+$0x1C410] =	vst v6  }
0x11d: {  	vm13 =	vgt.s32 v57, $0x0;
	[tilespmem:s26+$0x1C490] =	vst v55;
	v6 =	vld.idx.msk [tilespmem:v13+s3+$0x0], $0xffff  }
0x11e: {  	v58 =	vnsel vm13, $0x0, v57;
	v7 =	vld.idx.msk [tilespmem:v9+s3+$0x0], $0xffff  }
0x11f: {  	v8 =	vmin.u32 v58, $0x186A0;
	_ =	sdelay $0x1  }
0x120: {  	[tilespmem:s25+$0x1C420] =	vst v4  }
0x121: {  	vm15 =	vgt.s32 v12, $0x0;
	v3 =	vld.idx.msk [tilespmem:v3+s3+$0x0], $0xffff;
	[tilespmem:s26+$0x1C420] =	vst v6  }
0x122: {  	v62 =	vnsel vm15, $0x0, v12;
	vm14 =	vgt.s32 v59, $0x0;
	[tilespmem:s26+$0x1C4A0] =	vst v7;
	v5 =	vld.idx.msk [tilespmem:v5+s3+$0x0], $0xffff  }
0x123: {  	v60 =	vnsel vm14, $0x0, v59;
	v6 =	vmin.u32 v62, $0x186A0;
	v7 =	vld.idx.msk [tilespmem:v8+s3+$0x0], $0xffff  }
0x124: {  	v61 =	vmin.u32 v60, $0x186A0  }
0x125: {  	v0 =	vld.idx.msk [tilespmem:v0+s3+$0x0], $0xffff;
	[tilespmem:s24+$0x1C430] =	vst v11  }
0x126: {  	v1 =	vld.idx.msk [tilespmem:v1+s3+$0x0], $0xffff;
	[tilespmem:s25+$0x1C430] =	vst v3  }
0x127: {  	v2 =	vld.idx.msk [tilespmem:v2+s3+$0x0], $0xffff;
	[tilespmem:s26+$0x1C430] =	vst v5  }
0x128: {  	[tilespmem:s26+$0x1C4B0] =	vst v7;
	v63 =	vld.idx.msk [tilespmem:v6+s3+$0x0], $0xffff  }
0x129: {  	[tilespmem:s25+$0x1C4B8] =	vst v10;
	v4 =	vld.idx.msk [tilespmem:v61+s3+$0x0], $0xffff  }
0x12a: {  	p1 =	sne.s32 s20, $0xF;
	[tilespmem:s23+$0x1C438] =	vst v0  }
.Ltmp1:
0x12b: {  	[tilespmem:s24+$0x1C438] =	vst v1;
	(pc) =	sbr.rel @p1 .LBB2_6-.Ltmp1, $4  }
0x12c: {  	[tilespmem:s25+$0x1C438] =	vst v2  }
0x12d: {  	[tilespmem:s26+$0x1C438] =	vst v63  }
0x12e: {  	s0 =	sadd.s32 s6, s22;
	[tilespmem:s26+$0x1C4B8] =	vst v4  }
0x12f: {  	[hbm4b:s0+s3] =	stream.linear.scatter [tilespmem:s14], [sflag:$0x4], $0x1000, $0x38;
	[tilespmem:$0x1E000] =	vst v63  }
.Ltmp2:
0x130: {  	(pc) =	sbr.rel .LBB2_7-.Ltmp2, $4  }
0x131: {  	_ = 	snop  }
0x132: {  	_ =	swait.ge [sflag:s15], $0x1000  }
0x133: {  	[sflag:s15] =	ssyncset.done $0x0  }
0x134: {  	[sflag:s15] =	ssyncadd.s32 $0xFFFFF000  }
.LBB2_6:
.Ltmp3:
0x135: {  	s0 =	sadd.s32 s22, s8;
	(pc) =	sbr.rel @p0 .LBB2_8-.Ltmp3, $4  }
0x136: {  	[tilespmem:s10], [sflag:$0x2] =	stream.linear.gather [hbm4b:s0+s3], $0x1000, $0x38;
	[tilespmem:$0x1E000] =	vst v63  }
0x137: {  	_ =	swait.ge [sflag:s15], $0x1000  }
0x138: {  	[sflag:s15] =	ssyncset.done $0x0  }
0x139: {  	[sflag:s15] =	ssyncadd.s32 $0xFFFFF000  }
.LBB2_7:
0x13a: {  	_ =	swait.ge [sflag:s16], $0x1000  }
0x13b: {  	[sflag:s16] =	ssyncset.done $0x0  }
0x13c: {  	[sflag:s16] =	ssyncadd.s32 $0xFFFFF000  }
.LBB2_8:
0x13d: {  	s0 =	simm.s32 $0x0  }
0x13e: {  	s22 =	sand.u32 $0x800, s0;
	s0 =	sand.u32 $0x300, s0  }
0x13f: {  	s22 =	sor.u32 s0, s22  }
0x140: {  	v0 =	vld [tilespmem:s22+$0x1B080];
	_ =	sdelay $0x3  }
0x141: {  	v1 =	vld [tilespmem:s22+$0x1B000]  }
0x142: {  	vm0 =	vgt.s32 v0, $0x0  }
0x143: {  	v2 =	vld [tilespmem:s22+$0x1B090];
	v0 =	vnsel vm0, $0x0, v0  }
0x144: {  	v3 =	vld [tilespmem:s22+$0x1B010];
	v0 =	vmin.u32 v0, $0x186A0  }
0x145: {  	v4 =	vld [tilespmem:s22+$0x1B0A0]  }
0x146: {  	v5 =	vld [tilespmem:s22+$0x1B020];
	vm5 =	vgt.s32 v1, $0x0  }
0x147: {  	v6 =	vld [tilespmem:s22+$0x1B030];
	v1 =	vnsel vm5, $0x0, v1  }
0x148: {  	v7 =	vld [tilespmem:s22+$0x1B040];
	vm6 =	vgt.s32 v2, $0x0;
	v1 =	vmin.u32 v1, $0x186A0  }
0x149: {  	v2 =	vnsel vm6, $0x0, v2;
	v0 =	vld.idx.msk [tilespmem:v0+s3+$0x0], $0xffff  }
0x14a: {  	v8 =	vld [tilespmem:s22+$0x1B050];
	v2 =	vmin.u32 v2, $0x186A0  }
0x14b: {  	v9 =	vld [tilespmem:s22+$0x1B060]  }
0x14c: {  	v10 =	vld [tilespmem:s22+$0x1B070];
	vm7 =	vgt.s32 v3, $0x0  }
0x14d: {  	vm8 =	vgt.s32 v4, $0x0;
	v3 =	vnsel vm7, $0x0, v3;
	v1 =	vld.idx.msk [tilespmem:v1+s3+$0x0], $0xffff  }
0x14e: {  	[tilespmem:s22+$0x1D080] =	vst v0;
	v0 =	vmin.u32 v3, $0x186A0;
	v3 =	vnsel vm8, $0x0, v4;
	v4 =	vld [tilespmem:s22+$0x1B0B0]  }
0x14f: {  	v2 =	vld.idx.msk [tilespmem:v2+s3+$0x0], $0xffff  }
0x150: {  	v11 =	vld [tilespmem:s22+$0x1B0D0];
	v3 =	vmin.u32 v3, $0x186A0  }
0x151: {  	v13 =	vld [tilespmem:s22+$0x1B480]  }
0x152: {  	v18 =	vld [tilespmem:s22+$0x1B490];
	vm9 =	vgt.s32 v5, $0x0;
	[tilespmem:s22+$0x1D000] =	vst v1  }
0x153: {  	s26 =	simm.s32 $0x100;
	s23 =	simm.s32 $0x200;
	v1 =	vnsel vm9, $0x0, v5;
	v0 =	vld.idx.msk [tilespmem:v0+s3+$0x0], $0xffff  }
0x154: {  	s23 =	sand.u32 $0x800, s23;
	s0 =	sand.u32 $0x300, s26;
	v5 =	vld [tilespmem:s22+$0x1B0C0];
	v1 =	vmin.u32 v1, $0x186A0;
	vm10 =	vgt.s32 v4, $0x0;
	[tilespmem:s22+$0x1D090] =	vst v2  }
0x155: {  	s23 =	sor.u32 s0, s23;
	v2 =	vld.idx.msk [tilespmem:v3+s3+$0x0], $0xffff;
	v3 =	vnsel vm10, $0x0, v4  }
0x156: {  	v12 =	vld [tilespmem:s23+$0x1B000];
	v3 =	vmin.u32 v3, $0x186A0  }
0x157: {  	v14 =	vld [tilespmem:s23+$0x1B020]  }
0x158: {  	v15 =	vld [tilespmem:s23+$0x1B030];
	vm11 =	vgt.s32 v6, $0x0;
	[tilespmem:s22+$0x1D010] =	vst v0  }
0x159: {  	v0 =	vnsel vm11, $0x0, v6;
	v1 =	vld.idx.msk [tilespmem:v1+s3+$0x0], $0xffff  }
0x15a: {  	v16 =	vld [tilespmem:s23+$0x1B090];
	vm12 =	vgt.s32 v5, $0x0;
	v0 =	vmin.u32 v0, $0x186A0;
	[tilespmem:s22+$0x1D0A0] =	vst v2  }
0x15b: {  	v2 =	vnsel vm12, $0x0, v5;
	v6 =	vld.idx.msk [tilespmem:v3+s3+$0x0], $0xffff  }
0x15c: {  	v17 =	vld [tilespmem:s23+$0x1B040];
	v5 =	vmin.u32 v2, $0x186A0  }
0x15d: {  	v20 =	vld [tilespmem:s23+$0x1B0A0]  }
0x15e: {  	v22 =	vld [tilespmem:s23+$0x1B490];
	vm13 =	vgt.s32 v7, $0x0;
	[tilespmem:s22+$0x1D020] =	vst v1  }
0x15f: {  	v1 =	vnsel vm13, $0x0, v7;
	v0 =	vld.idx.msk [tilespmem:v0+s3+$0x0], $0xffff  }
0x160: {  	s30 =	simm.s32 $0x200;
	s24 =	simm.s32 $0x400;
	v36 =	vld [tilespmem:s23+$0x1B4A0];
	vm14 =	vgt.s32 v11, $0x0;
	v7 =	vmin.u32 v1, $0x186A0;
	[tilespmem:s22+$0x1D0B0] =	vst v6  }
0x161: {  	s24 =	sand.u32 $0x800, s24;
	s0 =	sand.u32 $0x300, s30;
	v6 =	vnsel vm14, $0x0, v11;
	v5 =	vld.idx.msk [tilespmem:v5+s3+$0x0], $0xffff  }
0x162: {  	s24 =	sor.u32 s0, s24;
	v11 =	vld [tilespmem:s22+$0x1B0E0];
	v6 =	vmin.u32 v6, $0x186A0  }
0x163: {  	v34 =	vld [tilespmem:s24+$0x1B090]  }
0x164: {  	v35 =	vld [tilespmem:s24+$0x1B040];
	[tilespmem:s22+$0x1D030] =	vst v0  }
0x165: {  	v7 =	vld.idx.msk [tilespmem:v7+s3+$0x0], $0xffff  }
0x166: {  	v23 =	vld [tilespmem:s24+$0x1B0A0];
	[tilespmem:s22+$0x1D0C0] =	vst v5  }
0x167: {  	vm4 =	vgt.s32 v11, $0x0;
	v5 =	vld.idx.msk [tilespmem:v6+s3+$0x0], $0xffff  }
0x168: {  	v6 =	vnsel vm4, $0x0, v11;
	v11 =	vld [tilespmem:s22+$0x1B0F0]  }
0x169: {  	v38 =	vld [tilespmem:s24+$0x1B0B0];
	v6 =	vmin.u32 v6, $0x186A0  }
0x16a: {  	[tilespmem:s22+$0x1D040] =	vst v7;
	v7 =	vld [tilespmem:s23+$0x1B080]  }
0x16b: {  	v41 =	vld [tilespmem:s24+$0x1B0C0]  }
0x16c: {  	v44 =	vld [tilespmem:s24+$0x1B0D0]  }
0x16d: {  	v45 =	vld [tilespmem:s24+$0x1B0E0];
	[tilespmem:s22+$0x1D0D0] =	vst v5;
	vm5 =	vgt.s32 v11, $0x0  }
0x16e: {  	v5 =	vld.idx.msk [tilespmem:v6+s3+$0x0], $0xffff;
	v11 =	vnsel vm5, $0x0, v11  }
0x16f: {  	v46 =	vld [tilespmem:s24+$0x1B480];
	v11 =	vmin.u32 v11, $0x186A0;
	vm6 =	vgt.s32 v7, $0x0  }
0x170: {  	s31 =	simm.s32 $0x300;
	s25 =	simm.s32 $0x600;
	v25 =	vld [tilespmem:s24+$0x1B490];
	vm1 =	vgt.s32 v12, $0x0;
	v7 =	vnsel vm6, $0x0, v7  }
0x171: {  	s25 =	sand.u32 $0x800, s25;
	s0 =	sand.u32 $0x300, s31;
	v12 =	vnsel vm1, $0x0, v12;
	v6 =	vld [tilespmem:s23+$0x1B010];
	v7 =	vmin.u32 v7, $0x186A0  }
0x172: {  	s25 =	sor.u32 s0, s25;
	v53 =	vld [tilespmem:s24+$0x1B4A0];
	vm15 =	vgt.s32 v8, $0x0;
	v12 =	vmin.u32 v12, $0x186A0  }
0x173: {  	v47 =	vld [tilespmem:s25+$0x1B020];
	vm7 =	vgt.s32 v13, $0x0;
	v0 =	vnsel vm15, $0x0, v8;
	[tilespmem:s22+$0x1D0E0] =	vst v5  }
0x174: {  	v13 =	vnsel vm7, $0x0, v13;
	v8 =	vmin.u32 v0, $0x186A0;
	v5 =	vld.idx.msk [tilespmem:v11+s3+$0x0], $0xffff  }
0x175: {  	v48 =	vld [tilespmem:s25+$0x1B030];
	v13 =	vmin.u32 v13, $0x186A0;
	vm8 =	vgt.s32 v16, $0x0  }
0x176: {  	vm9 =	vgt.s32 v6, $0x0;
	v19 =	vld.idx.msk [tilespmem:v7+s3+$0x0], $0xffff;
	v7 =	vnsel vm8, $0x0, v16  }
0x177: {  	v12 =	vld.idx.msk [tilespmem:v12+s3+$0x0], $0xffff;
	v6 =	vnsel vm9, $0x0, v6;
	v16 =	vmin.u32 v7, $0x186A0  }
0x178: {  	v49 =	vld [tilespmem:s25+$0x1B090];
	v21 =	vmin.u32 v6, $0x186A0  }
0x179: {  	vm10 =	vgt.s32 v9, $0x0;
	v8 =	vld.idx.msk [tilespmem:v8+s3+$0x0], $0xffff;
	[tilespmem:s22+$0x1D0F0] =	vst v5  }
0x17a: {  	vm11 =	vgt.s32 v18, $0x0;
	v5 =	vnsel vm10, $0x0, v9;
	v9 =	vld.idx.msk [tilespmem:v13+s3+$0x0], $0xffff  }
0x17b: {  	v5 =	vmin.u32 v5, $0x186A0;
	v13 =	vnsel vm11, $0x0, v18;
	v18 =	vld [tilespmem:s22+$0x1B4A0];
	[tilespmem:s23+$0x1D080] =	vst v19  }
0x17c: {  	[tilespmem:s23+$0x1D000] =	vst v12;
	vm12 =	vgt.s32 v20, $0x0;
	v13 =	vmin.u32 v13, $0x186A0;
	v12 =	vld.idx.msk [tilespmem:v16+s3+$0x0], $0xffff  }
0x17d: {  	vm13 =	vgt.s32 v14, $0x0;
	v19 =	vnsel vm12, $0x0, v20;
	v16 =	vld.idx.msk [tilespmem:v21+s3+$0x0], $0xffff  }
0x17e: {  	[tilespmem:s22+$0x1D050] =	vst v8;
	v8 =	vnsel vm13, $0x0, v14;
	v14 =	vmin.u32 v19, $0x186A0;
	v19 =	vld [tilespmem:s23+$0x1B0B0]  }
0x17f: {  	v4 =	vld [tilespmem:s22+$0x1B400];
	v8 =	vmin.u32 v8, $0x186A0  }
0x180: {  	vm14 =	vgt.s32 v10, $0x0;
	v5 =	vld.idx.msk [tilespmem:v5+s3+$0x0], $0xffff;
	[tilespmem:s22+$0x1D480] =	vst v9;
	vm15 =	vgt.s32 v18, $0x0  }
0x181: {  	v9 =	vnsel vm14, $0x0, v10;
	v10 =	vld.idx.msk [tilespmem:v13+s3+$0x0], $0xffff;
	v18 =	vnsel vm15, $0x0, v18  }
0x182: {  	v13 =	vmin.u32 v9, $0x186A0;
	[tilespmem:s23+$0x1D090] =	vst v12;
	v12 =	vmin.u32 v18, $0x186A0;
	v18 =	vld [tilespmem:s22+$0x1B4B0]  }
0x183: {  	[tilespmem:s23+$0x1D010] =	vst v16;
	vm4 =	vgt.s32 v19, $0x0;
	v14 =	vld.idx.msk [tilespmem:v14+s3+$0x0], $0xffff  }
0x184: {  	vm5 =	vgt.s32 v15, $0x0;
	v8 =	vld.idx.msk [tilespmem:v8+s3+$0x0], $0xffff;
	v16 =	vnsel vm4, $0x0, v19  }
0x185: {  	v15 =	vnsel vm5, $0x0, v15;
	v19 =	vld [tilespmem:s23+$0x1B0C0];
	v16 =	vmin.u32 v16, $0x186A0  }
0x186: {  	v3 =	vld [tilespmem:s22+$0x1B410];
	[tilespmem:s22+$0x1D060] =	vst v5;
	v5 =	vmin.u32 v15, $0x186A0  }
0x187: {  	v13 =	vld.idx.msk [tilespmem:v13+s3+$0x0], $0xffff;
	[tilespmem:s22+$0x1D490] =	vst v10;
	vm7 =	vgt.s32 v18, $0x0  }
0x188: {  	vm6 =	vgt.s32 v4, $0x0;
	v12 =	vld.idx.msk [tilespmem:v12+s3+$0x0], $0xffff;
	v15 =	vnsel vm7, $0x0, v18  }
0x189: {  	v4 =	vnsel vm6, $0x0, v4;
	[tilespmem:s23+$0x1D0A0] =	vst v14;
	v14 =	vmin.u32 v15, $0x186A0;
	v15 =	vld [tilespmem:s22+$0x1B4B8]  }
0x18a: {  	v4 =	vmin.u32 v4, $0x186A0;
	[tilespmem:s23+$0x1D020] =	vst v8;
	vm8 =	vgt.s32 v19, $0x0;
	v8 =	vld.idx.msk [tilespmem:v16+s3+$0x0], $0xffff  }
0x18b: {  	v16 =	vld.idx.msk [tilespmem:v5+s3+$0x0], $0xffff;
	v5 =	vnsel vm8, $0x0, v19  }
0x18c: {  	v19 =	vld [tilespmem:s23+$0x1B0D0];
	v18 =	vmin.u32 v5, $0x186A0  }
0x18d: {  	v50 =	vld [tilespmem:s25+$0x1B040];
	vm9 =	vgt.s32 v17, $0x0  }
0x18e: {  	v2 =	vld [tilespmem:s22+$0x1B420];
	[tilespmem:s22+$0x1D070] =	vst v13;
	v5 =	vnsel vm9, $0x0, v17  }
0x18f: {  	vm10 =	vgt.s32 v3, $0x0;
	v4 =	vld.idx.msk [tilespmem:v4+s3+$0x0], $0xffff;
	v13 =	vmin.u32 v5, $0x186A0;
	[tilespmem:s22+$0x1D4A0] =	vst v12;
	vm11 =	vgt.s32 v15, $0x0  }
0x190: {  	v3 =	vnsel vm10, $0x0, v3;
	v12 =	vld.idx.msk [tilespmem:v14+s3+$0x0], $0xffff;
	[tilespmem:s23+$0x1D0B0] =	vst v8;
	v15 =	vnsel vm11, $0x0, v15  }
0x191: {  	v14 =	vmin.u32 v3, $0x186A0;
	vm12 =	vgt.s32 v19, $0x0;
	v8 =	vmin.u32 v15, $0x186A0;
	v15 =	vld.idx.msk [tilespmem:v18+s3+$0x0], $0xffff  }
0x192: {  	v17 =	vnsel vm12, $0x0, v19;
	v18 =	vld [tilespmem:s23+$0x1B0E0]  }
0x193: {  	v26 =	vld [tilespmem:s25+$0x1B0A0];
	[tilespmem:s23+$0x1D030] =	vst v16;
	v16 =	vmin.u32 v17, $0x186A0  }
0x194: {  	v13 =	vld.idx.msk [tilespmem:v13+s3+$0x0], $0xffff  }
0x195: {  	v27 =	vld [tilespmem:s25+$0x1B060];
	vm14 =	vgt.s32 v2, $0x0;
	[tilespmem:s22+$0x1D400] =	vst v4  }
0x196: {  	v2 =	vnsel vm14, $0x0, v2;
	v14 =	vld.idx.msk [tilespmem:v14+s3+$0x0], $0xffff;
	[tilespmem:s22+$0x1D4B0] =	vst v12  }
0x197: {  	v12 =	vmin.u32 v2, $0x186A0;
	v2 =	vld.idx.msk [tilespmem:v8+s3+$0x0], $0xffff;
	[tilespmem:s23+$0x1D0C0] =	vst v15;
	vm15 =	vgt.s32 v18, $0x0  }
0x198: {  	v8 =	vld.idx.msk [tilespmem:v16+s3+$0x0], $0xffff;
	v15 =	vnsel vm15, $0x0, v18  }
0x199: {  	[tilespmem:s23+$0x1D040] =	vst v13;
	v13 =	vmin.u32 v15, $0x186A0;
	v15 =	vld [tilespmem:s23+$0x1B0F0]  }
0x19a: {  	v52 =	vld [tilespmem:s25+$0x1B070]  }
0x19b: {  	[tilespmem:s22+$0x1D410] =	vst v14;
	v14 =	vld [tilespmem:s24+$0x1B080]  }
0x19c: {  	v16 =	vld [tilespmem:s24+$0x1B000]  }
0x19d: {  	v11 =	vld [tilespmem:s23+$0x1B050]  }
0x19e: {  	v17 =	vld [tilespmem:s23+$0x1B480];
	[tilespmem:s23+$0x1D0D0] =	vst v8;
	vm4 =	vgt.s32 v15, $0x0  }
0x19f: {  	v8 =	vld.idx.msk [tilespmem:v13+s3+$0x0], $0xffff;
	v15 =	vnsel vm4, $0x0, v15  }
0x1a0: {  	v56 =	vld [tilespmem:s25+$0x1B0B0];
	vm5 =	vgt.s32 v14, $0x0;
	v15 =	vmin.u32 v15, $0x186A0  }
0x1a1: {  	v57 =	vld [tilespmem:s25+$0x1B400];
	vm6 =	vgt.s32 v16, $0x0;
	v14 =	vnsel vm5, $0x0, v14  }
0x1a2: {  	v1 =	vld [tilespmem:s22+$0x1B430];
	v16 =	vnsel vm6, $0x0, v16;
	v14 =	vmin.u32 v14, $0x186A0  }
0x1a3: {  	vm13 =	vgt.s32 v11, $0x0;
	v13 =	vld [tilespmem:s24+$0x1B010];
	v16 =	vmin.u32 v16, $0x186A0  }
0x1a4: {  	v7 =	vld [tilespmem:s23+$0x1B060];
	v11 =	vnsel vm13, $0x0, v11;
	vm7 =	vgt.s32 v17, $0x0;
	[tilespmem:s23+$0x1D0E0] =	vst v8  }
0x1a5: {  	v11 =	vmin.u32 v11, $0x186A0;
	v17 =	vnsel vm7, $0x0, v17;
	v8 =	vld.idx.msk [tilespmem:v15+s3+$0x0], $0xffff  }
0x1a6: {  	v6 =	vld [tilespmem:s23+$0x1B070];
	vm8 =	vgt.s32 v34, $0x0;
	v17 =	vmin.u32 v17, $0x186A0  }
0x1a7: {  	v20 =	vnsel vm8, $0x0, v34;
	v14 =	vld.idx.msk [tilespmem:v14+s3+$0x0], $0xffff  }
0x1a8: {  	v20 =	vmin.u32 v20, $0x186A0;
	vm9 =	vgt.s32 v13, $0x0;
	v16 =	vld.idx.msk [tilespmem:v16+s3+$0x0], $0xffff  }
0x1a9: {  	vm10 =	vgt.s32 v7, $0x0;
	v18 =	vld [tilespmem:s24+$0x1B020];
	v13 =	vnsel vm9, $0x0, v13  }
0x1aa: {  	v7 =	vnsel vm10, $0x0, v7;
	vm11 =	vgt.s32 v22, $0x0;
	v11 =	vld.idx.msk [tilespmem:v11+s3+$0x0], $0xffff;
	v24 =	vmin.u32 v13, $0x186A0;
	[tilespmem:s23+$0x1D0F0] =	vst v8  }
0x1ab: {  	v7 =	vmin.u32 v7, $0x186A0;
	v22 =	vnsel vm11, $0x0, v22;
	v17 =	vld.idx.msk [tilespmem:v17+s3+$0x0], $0xffff  }
0x1ac: {  	v9 =	vld [tilespmem:s23+$0x1B400];
	[tilespmem:s24+$0x1D080] =	vst v14;
	v14 =	vmin.u32 v22, $0x186A0  }
0x1ad: {  	vm12 =	vgt.s32 v23, $0x0;
	[tilespmem:s24+$0x1D000] =	vst v16;
	v16 =	vld.idx.msk [tilespmem:v20+s3+$0x0], $0xffff  }
0x1ae: {  	v19 =	vld [tilespmem:s24+$0x1B030];
	v23 =	vnsel vm12, $0x0, v23;
	vm13 =	vgt.s32 v18, $0x0  }
0x1af: {  	vm14 =	vgt.s32 v6, $0x0;
	[tilespmem:s23+$0x1D050] =	vst v11;
	v11 =	vnsel vm13, $0x0, v18;
	v18 =	vmin.u32 v23, $0x186A0;
	v37 =	vld.idx.msk [tilespmem:v24+s3+$0x0], $0xffff  }
0x1b0: {  	v6 =	vnsel vm14, $0x0, v6;
	vm15 =	vgt.s32 v36, $0x0;
	v39 =	vld.idx.msk [tilespmem:v7+s3+$0x0], $0xffff;
	v11 =	vmin.u32 v11, $0x186A0;
	[tilespmem:s23+$0x1D480] =	vst v17  }
0x1b1: {  	v6 =	vmin.u32 v6, $0x186A0;
	v17 =	vnsel vm15, $0x0, v36;
	v14 =	vld.idx.msk [tilespmem:v14+s3+$0x0], $0xffff  }
0x1b2: {  	[tilespmem:s24+$0x1D090] =	vst v16;
	v16 =	vmin.u32 v17, $0x186A0;
	v17 =	vld [tilespmem:s23+$0x1B4B0]  }
0x1b3: {  	v10 =	vld [tilespmem:s23+$0x1B410];
	vm4 =	vgt.s32 v38, $0x0  }
0x1b4: {  	vm5 =	vgt.s32 v19, $0x0;
	v40 =	vnsel vm4, $0x0, v38;
	[tilespmem:s24+$0x1D010] =	vst v37;
	v18 =	vld.idx.msk [tilespmem:v18+s3+$0x0], $0xffff  }
0x1b5: {  	v19 =	vnsel vm5, $0x0, v19;
	[tilespmem:s23+$0x1D060] =	vst v39;
	v20 =	vmin.u32 v40, $0x186A0;
	v11 =	vld.idx.msk [tilespmem:v11+s3+$0x0], $0xffff  }
0x1b6: {  	vm6 =	vgt.s32 v9, $0x0;
	v19 =	vmin.u32 v19, $0x186A0;
	v42 =	vld.idx.msk [tilespmem:v6+s3+$0x0], $0xffff;
	[tilespmem:s23+$0x1D490] =	vst v14  }
0x1b7: {  	v6 =	vnsel vm6, $0x0, v9;
	vm7 =	vgt.s32 v17, $0x0;
	v9 =	vld.idx.msk [tilespmem:v16+s3+$0x0], $0xffff  }
0x1b8: {  	v14 =	vmin.u32 v6, $0x186A0;
	v16 =	vnsel vm7, $0x0, v17;
	v17 =	vld [tilespmem:s23+$0x1B4B8]  }
0x1b9: {  	vm8 =	vgt.s32 v41, $0x0;
	v5 =	vld [tilespmem:s23+$0x1B420];
	[tilespmem:s24+$0x1D0A0] =	vst v18;
	v16 =	vmin.u32 v16, $0x186A0  }
0x1ba: {  	[tilespmem:s24+$0x1D020] =	vst v11;
	v11 =	vnsel vm8, $0x0, v41;
	v18 =	vld.idx.msk [tilespmem:v20+s3+$0x0], $0xffff  }
0x1bb: {  	v19 =	vld.idx.msk [tilespmem:v19+s3+$0x0], $0xffff;
	v43 =	vmin.u32 v11, $0x186A0  }
0x1bc: {  	vm10 =	vgt.s32 v10, $0x0;
	v15 =	vld [tilespmem:s24+$0x1B050];
	[tilespmem:s23+$0x1D070] =	vst v42  }
0x1bd: {  	v14 =	vld.idx.msk [tilespmem:v14+s3+$0x0], $0xffff;
	[tilespmem:s23+$0x1D4A0] =	vst v9;
	v9 =	vnsel vm10, $0x0, v10;
	vm11 =	vgt.s32 v17, $0x0  }
0x1be: {  	vm12 =	vgt.s32 v1, $0x0;
	v16 =	vld.idx.msk [tilespmem:v16+s3+$0x0], $0xffff;
	v9 =	vmin.u32 v9, $0x186A0;
	v17 =	vnsel vm11, $0x0, v17  }
0x1bf: {  	v1 =	vnsel vm12, $0x0, v1;
	v12 =	vld.idx.msk [tilespmem:v12+s3+$0x0], $0xffff;
	vm13 =	vgt.s32 v44, $0x0;
	[tilespmem:s24+$0x1D0B0] =	vst v18;
	v17 =	vmin.u32 v17, $0x186A0  }
0x1c0: {  	v1 =	vmin.u32 v1, $0x186A0;
	[tilespmem:s24+$0x1D030] =	vst v19;
	v19 =	vnsel vm13, $0x0, v44;
	v18 =	vld.idx.msk [tilespmem:v43+s3+$0x0], $0xffff  }
0x1c1: {  	v59 =	vld [tilespmem:s25+$0x1B0C0];
	v19 =	vmin.u32 v19, $0x186A0  }
0x1c2: {  	v0 =	vld [tilespmem:s22+$0x1B438];
	vm14 =	vgt.s32 v15, $0x0;
	[tilespmem:s23+$0x1D400] =	vst v14  }
0x1c3: {  	vm15 =	vgt.s32 v5, $0x0;
	v14 =	vnsel vm14, $0x0, v15;
	v15 =	vld.idx.msk [tilespmem:v9+s3+$0x0], $0xffff;
	[tilespmem:s23+$0x1D4B0] =	vst v16  }
0x1c4: {  	[tilespmem:s22+$0x1D420] =	vst v12;
	v5 =	vnsel vm15, $0x0, v5;
	v9 =	vld.idx.msk [tilespmem:v17+s3+$0x0], $0xffff  }
0x1c5: {  	v17 =	vmin.u32 v5, $0x186A0;
	[tilespmem:s24+$0x1D0C0] =	vst v18;
	v5 =	vld.idx.msk [tilespmem:v1+s3+$0x0], $0xffff  }
0x1c6: {  	vm4 =	vgt.s32 v45, $0x0;
	v1 =	vld.idx.msk [tilespmem:v19+s3+$0x0], $0xffff  }
0x1c7: {  	v12 =	vnsel vm4, $0x0, v45;
	v19 =	vld [tilespmem:s24+$0x1B0F0]  }
0x1c8: {  	v62 =	vld [tilespmem:s25+$0x1B430];
	v18 =	vmin.u32 v12, $0x186A0  }
0x1c9: {  	[tilespmem:s23+$0x1D410] =	vst v15;
	v15 =	vld [tilespmem:s25+$0x1B080]  }
0x1ca: {  	v12 =	vld.idx.msk [tilespmem:v17+s3+$0x0], $0xffff  }
0x1cb: {  	vm9 =	vgt.s32 v35, $0x0;
	v17 =	vld [tilespmem:s25+$0x1B000]  }
0x1cc: {  	v3 =	vld [tilespmem:s23+$0x1B430];
	v11 =	vnsel vm9, $0x0, v35;
	[tilespmem:s24+$0x1D0D0] =	vst v1;
	vm5 =	vgt.s32 v19, $0x0  }
0x1cd: {  	v21 =	vmin.u32 v11, $0x186A0;
	v1 =	vld.idx.msk [tilespmem:v18+s3+$0x0], $0xffff;
	v19 =	vnsel vm5, $0x0, v19  }
0x1ce: {  	v4 =	vld [tilespmem:s23+$0x1B438];
	v19 =	vmin.u32 v19, $0x186A0  }
0x1cf: {  	v7 =	vld [tilespmem:s24+$0x1B400];
	vm6 =	vgt.s32 v15, $0x0  }
0x1d0: {  	v13 =	vld [tilespmem:s24+$0x1B060];
	vm7 =	vgt.s32 v17, $0x0;
	v15 =	vnsel vm6, $0x0, v15  }
0x1d1: {  	v18 =	vld [tilespmem:s25+$0x1B010];
	v17 =	vnsel vm7, $0x0, v17;
	v15 =	vmin.u32 v15, $0x186A0  }
0x1d2: {  	vm8 =	vgt.s32 v46, $0x0;
	v21 =	vld.idx.msk [tilespmem:v21+s3+$0x0], $0xffff;
	v17 =	vmin.u32 v17, $0x186A0;
	[tilespmem:s24+$0x1D0E0] =	vst v1  }
0x1d3: {  	v20 =	vnsel vm8, $0x0, v46;
	v16 =	vmin.u32 v14, $0x186A0;
	v1 =	vld.idx.msk [tilespmem:v19+s3+$0x0], $0xffff  }
0x1d4: {  	v8 =	vld [tilespmem:s24+$0x1B070];
	v20 =	vmin.u32 v20, $0x186A0  }
0x1d5: {  	v6 =	vld [tilespmem:s24+$0x1B410];
	vm9 =	vgt.s32 v49, $0x0  }
0x1d6: {  	v23 =	vnsel vm9, $0x0, v49;
	vm10 =	vgt.s32 v18, $0x0;
	v15 =	vld.idx.msk [tilespmem:v15+s3+$0x0], $0xffff  }
0x1d7: {  	v23 =	vmin.u32 v23, $0x186A0;
	[tilespmem:s24+$0x1D040] =	vst v21;
	v18 =	vnsel vm10, $0x0, v18;
	v17 =	vld.idx.msk [tilespmem:v17+s3+$0x0], $0xffff  }
0x1d8: {  	vm11 =	vgt.s32 v13, $0x0;
	v16 =	vld.idx.msk [tilespmem:v16+s3+$0x0], $0xffff;
	v18 =	vmin.u32 v18, $0x186A0;
	[tilespmem:s24+$0x1D0F0] =	vst v1  }
0x1d9: {  	vm12 =	vgt.s32 v25, $0x0;
	v1 =	vnsel vm11, $0x0, v13;
	v13 =	vld.idx.msk [tilespmem:v20+s3+$0x0], $0xffff  }
0x1da: {  	v51 =	vnsel vm12, $0x0, v25;
	v11 =	vld [tilespmem:s24+$0x1B420];
	v1 =	vmin.u32 v1, $0x186A0  }
0x1db: {  	vm13 =	vgt.s32 v26, $0x0;
	v10 =	vld [tilespmem:s24+$0x1B430];
	[tilespmem:s25+$0x1D080] =	vst v15;
	v15 =	vmin.u32 v51, $0x186A0  }
0x1dc: {  	v54 =	vnsel vm13, $0x0, v26;
	vm14 =	vgt.s32 v47, $0x0;
	[tilespmem:s25+$0x1D000] =	vst v17;
	v17 =	vld.idx.msk [tilespmem:v23+s3+$0x0], $0xffff  }
0x1dd: {  	v55 =	vmin.u32 v54, $0x186A0;
	[tilespmem:s24+$0x1D050] =	vst v16;
	v16 =	vnsel vm14, $0x0, v47;
	v18 =	vld.idx.msk [tilespmem:v18+s3+$0x0], $0xffff  }
0x1de: {  	vm15 =	vgt.s32 v8, $0x0;
	v14 =	vld [tilespmem:s24+$0x1B438];
	[tilespmem:s24+$0x1D480] =	vst v13;
	v13 =	vmin.u32 v16, $0x186A0  }
0x1df: {  	vm4 =	vgt.s32 v53, $0x0;
	v8 =	vnsel vm15, $0x0, v8;
	v1 =	vld.idx.msk [tilespmem:v1+s3+$0x0], $0xffff  }
0x1e0: {  	v8 =	vmin.u32 v8, $0x186A0;
	v16 =	vnsel vm4, $0x0, v53;
	v15 =	vld.idx.msk [tilespmem:v15+s3+$0x0], $0xffff  }
0x1e1: {  	vm5 =	vgt.s32 v56, $0x0;
	v16 =	vmin.u32 v16, $0x186A0;
	[tilespmem:s25+$0x1D090] =	vst v17;
	v17 =	vld [tilespmem:s24+$0x1B4B0]  }
0x1e2: {  	v58 =	vnsel vm5, $0x0, v56;
	vm6 =	vgt.s32 v48, $0x0;
	[tilespmem:s25+$0x1D010] =	vst v18;
	v18 =	vld.idx.msk [tilespmem:v55+s3+$0x0], $0xffff  }
0x1e3: {  	vm12 =	vgt.s32 v59, $0x0;
	v21 =	vmin.u32 v58, $0x186A0;
	v22 =	vnsel vm6, $0x0, v48;
	v13 =	vld.idx.msk [tilespmem:v13+s3+$0x0], $0xffff  }
0x1e4: {  	vm8 =	vgt.s32 v7, $0x0;
	vm13 =	vgt.s32 v50, $0x0;
	v22 =	vmin.u32 v22, $0x186A0;
	v19 =	vld [tilespmem:s25+$0x1B050];
	[tilespmem:s24+$0x1D060] =	vst v1  }
0x1e5: {  	vm15 =	vgt.s32 v11, $0x0;
	v61 =	vnsel vm13, $0x0, v50;
	vm5 =	vgt.s32 v10, $0x0;
	v8 =	vld.idx.msk [tilespmem:v8+s3+$0x0], $0xffff;
	[tilespmem:s24+$0x1D490] =	vst v15  }
0x1e6: {  	vm10 =	vgt.s32 v3, $0x0;
	v1 =	vnsel vm8, $0x0, v7;
	v7 =	vld.idx.msk [tilespmem:v16+s3+$0x0], $0xffff;
	vm9 =	vgt.s32 v17, $0x0  }
0x1e7: {  	v3 =	vnsel vm10, $0x0, v3;
	v15 =	vmin.u32 v1, $0x186A0;
	v1 =	vnsel vm9, $0x0, v17;
	[tilespmem:s25+$0x1D0A0] =	vst v18;
	v18 =	vld [tilespmem:s24+$0x1B4B8]  }
0x1e8: {  	vm11 =	vgt.s32 v4, $0x0;
	v17 =	vmin.u32 v1, $0x186A0;
	[tilespmem:s25+$0x1D020] =	vst v13;
	v13 =	vmin.u32 v3, $0x186A0;
	v3 =	vld.idx.msk [tilespmem:v21+s3+$0x0], $0xffff  }
0x1e9: {  	vm14 =	vgt.s32 v6, $0x0;
	v1 =	vnsel vm11, $0x0, v4;
	v4 =	vnsel vm12, $0x0, v59;
	v60 =	vld.idx.msk [tilespmem:v22+s3+$0x0], $0xffff  }
0x1ea: {  	v10 =	vnsel vm5, $0x0, v10;
	vm7 =	vgt.s32 v0, $0x0;
	v23 =	vmin.u32 v4, $0x186A0;
	[tilespmem:s24+$0x1D070] =	vst v8;
	v8 =	vld [tilespmem:s25+$0x1B0D0]  }
0x1eb: {  	v0 =	vnsel vm7, $0x0, v0;
	v16 =	vld [tilespmem:s25+$0x1B410];
	v4 =	vnsel vm14, $0x0, v6;
	v6 =	vmin.u32 v61, $0x186A0  }
0x1ec: {  	vm6 =	vgt.s32 v14, $0x0;
	v0 =	vmin.u32 v0, $0x186A0;
	vm10 =	vgt.s32 v52, $0x0;
	v15 =	vld.idx.msk [tilespmem:v15+s3+$0x0], $0xffff;
	[tilespmem:s24+$0x1D4A0] =	vst v7  }
0x1ed: {  	[tilespmem:s22+$0x1D4B8] =	vst v2;
	v7 =	vmin.u32 v4, $0x186A0;
	v4 =	vnsel vm15, $0x0, v11;
	vm4 =	vgt.s32 v18, $0x0;
	v11 =	vld.idx.msk [tilespmem:v17+s3+$0x0], $0xffff  }
0x1ee: {  	vm8 =	vgt.s32 v19, $0x0;
	v17 =	vnsel vm4, $0x0, v18;
	v18 =	vld [tilespmem:s25+$0x1B420];
	[tilespmem:s25+$0x1D0B0] =	vst v3;
	v3 =	vmin.u32 v10, $0x186A0  }
0x1ef: {  	v10 =	vnsel vm6, $0x0, v14;
	v17 =	vmin.u32 v17, $0x186A0;
	[tilespmem:s25+$0x1D030] =	vst v60;
	v14 =	vld.idx.msk [tilespmem:v23+s3+$0x0], $0xffff;
	vm7 =	vgt.s32 v8, $0x0  }
0x1f0: {  	[tilespmem:s22+$0x1D430] =	vst v5;
	vm9 =	vgt.s32 v27, $0x0;
	vm11 =	vgt.s32 v57, $0x0;
	v8 =	vnsel vm7, $0x0, v8;
	v21 =	vld.idx.msk [tilespmem:v6+s3+$0x0], $0xffff  }
0x1f1: {  	[tilespmem:s23+$0x1D420] =	vst v12;
	vm14 =	vgt.s32 v62, $0x0;
	v6 =	vnsel vm8, $0x0, v19;
	v19 =	vld [tilespmem:s25+$0x1B0E0];
	v8 =	vmin.u32 v8, $0x186A0  }
0x1f2: {  	v12 =	vld [tilespmem:s25+$0x1B438];
	v1 =	vmin.u32 v1, $0x186A0;
	v5 =	vnsel vm14, $0x0, v62;
	[tilespmem:s24+$0x1D400] =	vst v15;
	v15 =	vmin.u32 v6, $0x186A0  }
0x1f3: {  	vm12 =	vgt.s32 v16, $0x0;
	v4 =	vmin.u32 v4, $0x186A0;
	v6 =	vnsel vm9, $0x0, v27;
	v63 =	vld.idx.msk [tilespmem:v7+s3+$0x0], $0xffff;
	[tilespmem:s24+$0x1D4B0] =	vst v11  }
0x1f4: {  	[tilespmem:s23+$0x1D4B8] =	vst v9;
	v2 =	vmin.u32 v10, $0x186A0;
	v9 =	vmin.u32 v6, $0x186A0;
	v6 =	vnsel vm10, $0x0, v52;
	v10 =	vld.idx.msk [tilespmem:v17+s3+$0x0], $0xffff  }
0x1f5: {  	v5 =	vmin.u32 v5, $0x186A0;
	v16 =	vnsel vm12, $0x0, v16;
	v7 =	vmin.u32 v6, $0x186A0;
	v11 =	vld.idx.msk [tilespmem:v13+s3+$0x0], $0xffff;
	[tilespmem:s25+$0x1D0C0] =	vst v14  }
0x1f6: {  	v6 =	vnsel vm11, $0x0, v57;
	vm13 =	vgt.s32 v18, $0x0;
	[tilespmem:s25+$0x1D040] =	vst v21;
	vm15 =	vgt.s32 v19, $0x0;
	v14 =	vld.idx.msk [tilespmem:v8+s3+$0x0], $0xffff  }
0x1f7: {  	v13 =	vnsel vm13, $0x0, v18;
	v8 =	vmin.u32 v16, $0x186A0;
	v15 =	vld.idx.msk [tilespmem:v15+s3+$0x0], $0xffff;
	v16 =	vnsel vm15, $0x0, v19  }
0x1f8: {  	s28 =	simm.s32 $0x400;
	s29 =	simm.s32 $0x800;
	s26 =	simm.s32 $0x6;
	v6 =	vmin.u32 v6, $0x186A0;
	v13 =	vmin.u32 v13, $0x186A0;
	[tilespmem:s24+$0x1D410] =	vst v63;
	v17 =	vmin.u32 v16, $0x186A0;
	v16 =	vld [tilespmem:s25+$0x1B0F0]  }
.LBB2_9:
0x1f9: {  	s0 =	sand.u32 $0x800, s29;
	s30 =	sand.u32 $0x300, s28;
	s26 =	sadd.s32 $0x2, s26;
	vm0 =	vgt.s32 v12, $0x0;
	v18 =	vld.idx.msk [tilespmem:v4+s3+$0x0], $0xffff;
	[tilespmem:s24+$0x1D4B8] =	vst v10;
	v4 =	vmov v13  }
0x1fa: {  	s0 =	sor.u32 s30, s0;
	p0 =	slt.u32 s26, $0xE;
	v10 =	vnsel vm0, $0x0, v12;
	v12 =	vld.idx.msk [tilespmem:v0+s3+$0x0], $0xffff;
	v0 =	vmov v1;
	v1 =	vmov v2  }
0x1fb: {  	v13 =	vld [tilespmem:s0+$0x1B080];
	v2 =	vmin.u32 v10, $0x186A0;
	[tilespmem:s23+$0x1D430] =	vst v11  }
0x1fc: {  	v10 =	vld [tilespmem:s0+$0x1B000];
	[tilespmem:s25+$0x1D0D0] =	vst v14  }
0x1fd: {  	[tilespmem:s25+$0x1D050] =	vst v15;
	v11 =	vld.idx.msk [tilespmem:v17+s3+$0x0], $0xffff;
	vm0 =	vgt.s32 v16, $0x0  }
0x1fe: {  	v14 =	vld [tilespmem:s0+$0x1B010];
	v15 =	vnsel vm0, $0x0, v16  }
0x1ff: {  	v15 =	vmin.u32 v15, $0x186A0;
	v16 =	vld [tilespmem:s25+$0x1B480];
	[tilespmem:s24+$0x1D420] =	vst v18  }
0x200: {  	v17 =	vld [tilespmem:s0+$0x1B020];
	vm0 =	vgt.s32 v13, $0x0;
	[tilespmem:s22+$0x1D438] =	vst v12;
	s22 =	smov.u32 s23;
	s23 =	smov.u32 s24;
	s24 =	smov.u32 s25  }
0x201: {  	s25 =	smov.u32 s0;
	vm1 =	vgt.s32 v10, $0x0;
	v12 =	vld [tilespmem:s0+$0x1B030];
	v13 =	vnsel vm0, $0x0, v13  }
0x202: {  	v10 =	vnsel vm1, $0x0, v10;
	v13 =	vmin.u32 v13, $0x186A0;
	v18 =	vld [tilespmem:s25+$0x1B090]  }
0x203: {  	v10 =	vmin.u32 v10, $0x186A0;
	vm0 =	vgt.s32 v14, $0x0;
	v19 =	vld [tilespmem:s25+$0x1B040];
	[tilespmem:s24+$0x1D0E0] =	vst v11  }
0x204: {  	v11 =	vnsel vm0, $0x0, v14;
	v14 =	vld.idx.msk [tilespmem:v15+s3+$0x0], $0xffff;
	vm0 =	vgt.s32 v16, $0x0  }
0x205: {  	v11 =	vmin.u32 v11, $0x186A0;
	vm1 =	vgt.s32 v17, $0x0;
	v15 =	vld [tilespmem:s25+$0x1B050];
	v16 =	vnsel vm0, $0x0, v16  }
0x206: {  	v17 =	vnsel vm1, $0x0, v17;
	vm0 =	vgt.s32 v12, $0x0;
	v16 =	vmin.u32 v16, $0x186A0;
	v20 =	vld [tilespmem:s24+$0x1B490]  }
0x207: {  	v17 =	vmin.u32 v17, $0x186A0;
	v12 =	vnsel vm0, $0x0, v12;
	v13 =	vld.idx.msk [tilespmem:v13+s3+$0x0], $0xffff;
	vm0 =	vgt.s32 v18, $0x0  }
0x208: {  	v10 =	vld.idx.msk [tilespmem:v10+s3+$0x0], $0xffff;
	v12 =	vmin.u32 v12, $0x186A0;
	vm1 =	vgt.s32 v19, $0x0;
	v18 =	vnsel vm0, $0x0, v18  }
0x209: {  	v19 =	vnsel vm1, $0x0, v19;
	v18 =	vmin.u32 v18, $0x186A0;
	v21 =	vld [tilespmem:s25+$0x1B0A0]  }
0x20a: {  	v19 =	vmin.u32 v19, $0x186A0;
	vm0 =	vgt.s32 v15, $0x0;
	v22 =	vld [tilespmem:s25+$0x1B060];
	[tilespmem:s24+$0x1D0F0] =	vst v14  }
0x20b: {  	v14 =	vnsel vm0, $0x0, v15;
	v15 =	vld.idx.msk [tilespmem:v16+s3+$0x0], $0xffff;
	vm0 =	vgt.s32 v20, $0x0  }
0x20c: {  	v16 =	vmin.u32 v14, $0x186A0;
	v14 =	vld [tilespmem:s25+$0x1B070];
	v20 =	vnsel vm0, $0x0, v20  }
0x20d: {  	[tilespmem:s25+$0x1D080] =	vst v13;
	v13 =	vmin.u32 v20, $0x186A0;
	v20 =	vld [tilespmem:s24+$0x1B4A0]  }
0x20e: {  	[tilespmem:s25+$0x1D000] =	vst v10;
	v10 =	vld.idx.msk [tilespmem:v18+s3+$0x0], $0xffff;
	vm0 =	vgt.s32 v21, $0x0  }
0x20f: {  	v11 =	vld.idx.msk [tilespmem:v11+s3+$0x0], $0xffff;
	vm1 =	vgt.s32 v22, $0x0;
	v18 =	vnsel vm0, $0x0, v21  }
0x210: {  	v21 =	vnsel vm1, $0x0, v22;
	v18 =	vmin.u32 v18, $0x186A0;
	v22 =	vld [tilespmem:s25+$0x1B0B0]  }
0x211: {  	vm0 =	vgt.s32 v14, $0x0;
	v23 =	vld.idx.msk [tilespmem:v9+s3+$0x0], $0xffff;
	v9 =	vmin.u32 v21, $0x186A0;
	[tilespmem:s24+$0x1D480] =	vst v15  }
0x212: {  	v14 =	vnsel vm0, $0x0, v14;
	v13 =	vld.idx.msk [tilespmem:v13+s3+$0x0], $0xffff;
	vm0 =	vgt.s32 v20, $0x0  }
0x213: {  	v14 =	vmin.u32 v14, $0x186A0;
	v15 =	vld [tilespmem:s25+$0x1B400];
	v20 =	vnsel vm0, $0x0, v20  }
0x214: {  	[tilespmem:s25+$0x1D090] =	vst v10;
	v10 =	vmin.u32 v20, $0x186A0;
	v20 =	vld [tilespmem:s24+$0x1B4B0]  }
0x215: {  	[tilespmem:s25+$0x1D010] =	vst v11;
	v11 =	vld.idx.msk [tilespmem:v18+s3+$0x0], $0xffff;
	vm0 =	vgt.s32 v22, $0x0  }
0x216: {  	v17 =	vld.idx.msk [tilespmem:v17+s3+$0x0], $0xffff;
	v18 =	vnsel vm0, $0x0, v22  }
0x217: {  	v18 =	vmin.u32 v18, $0x186A0;
	v21 =	vld [tilespmem:s25+$0x1B0C0];
	[tilespmem:s24+$0x1D060] =	vst v23  }
0x218: {  	vm0 =	vgt.s32 v15, $0x0;
	v22 =	vld.idx.msk [tilespmem:v7+s3+$0x0], $0xffff;
	[tilespmem:s24+$0x1D490] =	vst v13;
	v7 =	vmov v14  }
0x219: {  	v13 =	vnsel vm0, $0x0, v15;
	v10 =	vld.idx.msk [tilespmem:v10+s3+$0x0], $0xffff;
	vm0 =	vgt.s32 v20, $0x0  }
0x21a: {  	v13 =	vmin.u32 v13, $0x186A0;
	v14 =	vld [tilespmem:s25+$0x1B410];
	v15 =	vnsel vm0, $0x0, v20  }
0x21b: {  	[tilespmem:s25+$0x1D0A0] =	vst v11;
	v11 =	vmin.u32 v15, $0x186A0;
	v15 =	vld [tilespmem:s24+$0x1B4B8]  }
0x21c: {  	[tilespmem:s25+$0x1D020] =	vst v17;
	v17 =	vld.idx.msk [tilespmem:v18+s3+$0x0], $0xffff;
	vm0 =	vgt.s32 v21, $0x0  }
0x21d: {  	v12 =	vld.idx.msk [tilespmem:v12+s3+$0x0], $0xffff;
	v18 =	vnsel vm0, $0x0, v21  }
0x21e: {  	v18 =	vmin.u32 v18, $0x186A0;
	v20 =	vld [tilespmem:s25+$0x1B0D0];
	[tilespmem:s24+$0x1D070] =	vst v22  }
0x21f: {  	vm0 =	vgt.s32 v14, $0x0;
	v21 =	vld.idx.msk [tilespmem:v6+s3+$0x0], $0xffff;
	[tilespmem:s24+$0x1D4A0] =	vst v10;
	v6 =	vmov v13  }
0x220: {  	v10 =	vnsel vm0, $0x0, v14;
	v11 =	vld.idx.msk [tilespmem:v11+s3+$0x0], $0xffff;
	vm0 =	vgt.s32 v15, $0x0  }
0x221: {  	v10 =	vmin.u32 v10, $0x186A0;
	v13 =	vld [tilespmem:s25+$0x1B420];
	v14 =	vnsel vm0, $0x0, v15  }
0x222: {  	v15 =	vld [tilespmem:s25+$0x1B430];
	[tilespmem:s25+$0x1D0B0] =	vst v17;
	v14 =	vmin.u32 v14, $0x186A0  }
0x223: {  	[tilespmem:s25+$0x1D030] =	vst v12;
	v17 =	vld.idx.msk [tilespmem:v18+s3+$0x0], $0xffff;
	vm0 =	vgt.s32 v20, $0x0  }
0x224: {  	v18 =	vld.idx.msk [tilespmem:v19+s3+$0x0], $0xffff;
	v12 =	vnsel vm0, $0x0, v20  }
0x225: {  	v19 =	vmin.u32 v12, $0x186A0;
	v20 =	vld [tilespmem:s25+$0x1B0E0];
	[tilespmem:s24+$0x1D400] =	vst v21  }
0x226: {  	vm0 =	vgt.s32 v13, $0x0;
	v21 =	vld.idx.msk [tilespmem:v8+s3+$0x0], $0xffff;
	[tilespmem:s24+$0x1D4B0] =	vst v11;
	v8 =	vmov v10  }
0x227: {  	v11 =	vnsel vm0, $0x0, v13;
	vm0 =	vgt.s32 v15, $0x0;
	v10 =	vld.idx.msk [tilespmem:v14+s3+$0x0], $0xffff  }
.Ltmp4:
0x228: {  	v13 =	vmin.u32 v11, $0x186A0;
	v14 =	vnsel vm0, $0x0, v15;
	v12 =	vld [tilespmem:s25+$0x1B438];
	(pc) =	sbr.rel @p0 .LBB2_9-.Ltmp4, $4  }
0x229: {  	[tilespmem:s25+$0x1D0C0] =	vst v17;
	v11 =	vld.idx.msk [tilespmem:v3+s3+$0x0], $0xffff;
	v3 =	vmov v5;
	v5 =	vmin.u32 v14, $0x186A0  }
0x22a: {  	[tilespmem:s25+$0x1D040] =	vst v18;
	v14 =	vld.idx.msk [tilespmem:v19+s3+$0x0], $0xffff;
	vm0 =	vgt.s32 v20, $0x0  }
0x22b: {  	v15 =	vld.idx.msk [tilespmem:v16+s3+$0x0], $0xffff;
	v16 =	vnsel vm0, $0x0, v20  }
0x22c: {  	s28 =	sadd.s32 $0x100, s28;
	s29 =	sadd.s32 $0x200, s29;
	v17 =	vmin.u32 v16, $0x186A0;
	v16 =	vld [tilespmem:s25+$0x1B0F0];
	[tilespmem:s24+$0x1D410] =	vst v21  }
0x22d: {  	_ =	sdelay $0x2  }
0x22e: {  	v49 =	vld [tilespmem:s25+$0x1B480];
	[tilespmem:s25+$0x1D050] =	vst v15  }
0x22f: {  	[tilespmem:s25+$0x1D0D0] =	vst v14;
	vm0 =	vgt.s32 v16, $0x0;
	v9 =	vld.idx.msk [tilespmem:v9+s3+$0x0], $0xffff  }
0x230: {  	v14 =	vld.idx.msk [tilespmem:v17+s3+$0x0], $0xffff;
	v16 =	vnsel vm0, $0x0, v16  }
0x231: {  	v16 =	vmin.u32 v16, $0x186A0;
	_ =	sdelay $0x2  }
0x232: {  	v51 =	vld [tilespmem:s25+$0x1B490];
	[tilespmem:s25+$0x1D060] =	vst v9  }
0x233: {  	vm10 =	vgt.s32 v49, $0x0;
	[tilespmem:s25+$0x1D0E0] =	vst v14;
	v7 =	vld.idx.msk [tilespmem:v7+s3+$0x0], $0xffff  }
0x234: {  	v50 =	vnsel vm10, $0x0, v49;
	v14 =	vld.idx.msk [tilespmem:v16+s3+$0x0], $0xffff  }
0x235: {  	v15 =	vmin.u32 v50, $0x186A0;
	_ =	sdelay $0x2  }
0x236: {  	v54 =	vld [tilespmem:s25+$0x1B4A0];
	[tilespmem:s25+$0x1D070] =	vst v7  }
0x237: {  	vm11 =	vgt.s32 v51, $0x0;
	[tilespmem:s25+$0x1D0F0] =	vst v14;
	v6 =	vld.idx.msk [tilespmem:v6+s3+$0x0], $0xffff  }
0x238: {  	v53 =	vnsel vm11, $0x0, v51;
	v52 =	vld.idx.msk [tilespmem:v15+s3+$0x0], $0xffff  }
0x239: {  	v14 =	vmin.u32 v53, $0x186A0;
	_ =	sdelay $0x2  }
0x23a: {  	v57 =	vld [tilespmem:s25+$0x1B4B0];
	[tilespmem:s25+$0x1D400] =	vst v6  }
0x23b: {  	vm12 =	vgt.s32 v54, $0x0;
	[tilespmem:s25+$0x1D480] =	vst v52;
	v6 =	vld.idx.msk [tilespmem:v8+s3+$0x0], $0xffff  }
0x23c: {  	v56 =	vnsel vm12, $0x0, v54;
	v55 =	vld.idx.msk [tilespmem:v14+s3+$0x0], $0xffff  }
0x23d: {  	v9 =	vmin.u32 v56, $0x186A0;
	_ =	sdelay $0x1  }
0x23e: {  	v59 =	vld [tilespmem:s25+$0x1B4B8]  }
0x23f: {  	v4 =	vld.idx.msk [tilespmem:v4+s3+$0x0], $0xffff;
	[tilespmem:s25+$0x1D410] =	vst v6  }
0x240: {  	vm13 =	vgt.s32 v57, $0x0;
	[tilespmem:s25+$0x1D490] =	vst v55;
	v6 =	vld.idx.msk [tilespmem:v13+s3+$0x0], $0xffff  }
0x241: {  	v58 =	vnsel vm13, $0x0, v57;
	v7 =	vld.idx.msk [tilespmem:v9+s3+$0x0], $0xffff  }
0x242: {  	v8 =	vmin.u32 v58, $0x186A0;
	_ =	sdelay $0x1  }
0x243: {  	[tilespmem:s24+$0x1D420] =	vst v4  }
0x244: {  	vm15 =	vgt.s32 v12, $0x0;
	v3 =	vld.idx.msk [tilespmem:v3+s3+$0x0], $0xffff;
	[tilespmem:s25+$0x1D420] =	vst v6  }
0x245: {  	v62 =	vnsel vm15, $0x0, v12;
	vm14 =	vgt.s32 v59, $0x0;
	[tilespmem:s25+$0x1D4A0] =	vst v7;
	v5 =	vld.idx.msk [tilespmem:v5+s3+$0x0], $0xffff  }
0x246: {  	v60 =	vnsel vm14, $0x0, v59;
	v6 =	vmin.u32 v62, $0x186A0;
	v7 =	vld.idx.msk [tilespmem:v8+s3+$0x0], $0xffff  }
0x247: {  	v61 =	vmin.u32 v60, $0x186A0  }
0x248: {  	v0 =	vld.idx.msk [tilespmem:v0+s3+$0x0], $0xffff;
	[tilespmem:s23+$0x1D430] =	vst v11  }
0x249: {  	v1 =	vld.idx.msk [tilespmem:v1+s3+$0x0], $0xffff;
	[tilespmem:s24+$0x1D430] =	vst v3  }
0x24a: {  	v2 =	vld.idx.msk [tilespmem:v2+s3+$0x0], $0xffff;
	[tilespmem:s25+$0x1D430] =	vst v5  }
0x24b: {  	[tilespmem:s25+$0x1D4B0] =	vst v7;
	v63 =	vld.idx.msk [tilespmem:v6+s3+$0x0], $0xffff  }
0x24c: {  	[tilespmem:s24+$0x1D4B8] =	vst v10;
	s20 =	sadd.s32 $0x1, s20;
	v4 =	vld.idx.msk [tilespmem:v61+s3+$0x0], $0xffff  }
0x24d: {  	p0 =	sne.s32 s20, $0x10;
	[tilespmem:s22+$0x1D438] =	vst v0  }
.Ltmp5:
0x24e: {  	[tilespmem:s23+$0x1D438] =	vst v1;
	(pc) =	sbr.rel @p0 .LBB2_2-.Ltmp5, $4  }
0x24f: {  	[tilespmem:s24+$0x1D438] =	vst v2  }
0x250: {  	[tilespmem:s25+$0x1D438] =	vst v63  }
0x251: {  	s0 =	sadd.s32 s6, s21;
	[tilespmem:s25+$0x1D4B8] =	vst v4  }
0x252: {  	[hbm4b:s0+s3] =	stream.linear.scatter [tilespmem:s17], [sflag:$0x5], $0x1000, $0x38;
	[tilespmem:$0x1E000] =	vst v63  }
0x253: {  	s19 =	sadd.s32 $0x1, s19  }
0x254: {  	_ =	swait.ge [sflag:s18], $0x1000;
	p0 =	sne.s32 s19, s9  }
.Ltmp6:
0x255: {  	[sflag:s18] =	ssyncset.done $0x0;
	(pc) =	sbr.rel @p0 .LBB2_1-.Ltmp6, $4  }
0x256: {  	[sflag:s18] =	ssyncadd.s32 $0xFFFFF000  }
0x257: {  	_ =	swait.ge [sflag:s16], $0x1000  }
0x258: {  	[sflag:s16] =	ssyncset.done $0x0  }
0x259: {  	[sflag:s16] =	ssyncadd.s32 $0xFFFFF000  }
0x25a: {  	_ =	sfence.sel $0x180000  }
0x25b: {  	[bflag:$0x0] =	sbarrier.arrive $0xFFFF  }
0x25c: {  	_ =	strace $0x90000047  }
0x25d: {  	[bflag:$0x2] =	sbarrier.arrive $0xFFFF  }
0x25e: {  	p0 =	sne.s32 s2, $0x0;
	s0 =	rddreg [dreg:$0x2]  }
0x25f: {  	s0 =	sadd.s32 @!p0 $0x100000, s0  }
0x260: {  	[sflag:s0] =	ssyncadd.tile.s32 @!p0 $0x1;
	_ =	shalt  }
.Lfunc_end2:
_tile_overlayer_lowered:
.L_overlay_start_2:
0x261: {  	(tag) =	ssettag $0x2  }
0x262: {  	s0 =	rddreg [dreg:$0x0];
	s2 =	stileid.u32  }
0x263: {  	s1 =	rddreg [dreg:$0x1];
	p0 =	sne.s32 s2, $0x0  }
0x264: {  	s3 =	rddreg [dreg:$0x2];
	[bflag:$0x3] =	sbarrier.arrive $0xFFFF;
	s2 =	simm.s32 @!p0 $0x1C06  }
0x265: {  	[timem:s3], [sflag:s2] =	dma.local @!p0 [hbm:s0], s1  }
0x266: {  	s0 =	simm.s32 @!p0 $0x6  }
0x267: {  	_ =	swait.ge @!p0 [sflag:s0], s1  }
0x268: {  	s1 =	ssub.s32 @!p0 $0x0, s1;
	[sflag:s0] =	ssyncset.done @!p0 $0x0  }
0x269: {  	[sflag:s0] =	ssyncadd.s32 @!p0 s1  }
0x26a: {  	[bflag:$0x3] =	sbarrier.arrive $0xFFFF  }
0x26b: {  	_ =	shalt  }

</sc_bundles>
